<compile_context>
chip_gen: v7x
topology: tpu7x:2x2x1
jax: 0.10.2.dev20260603
libtpu: 0.0.44.dev20260713+nightly
codegen_flags: <defaults>
</compile_context>

<pallas_src>
import jax
import jax.numpy as jnp
from jax import lax
from jax.experimental import pallas as pl
from jax.experimental.pallas import tpu as pltpu
from jax.experimental.pallas import tpu_sc as plsc

H = 224
W = 224
NCOL = 225
N = H * NCOL
NP = 50688
C = 64
G = 65
G3 = G * G * G
GP = 276480
GCH = GP // 32
SENTR = 274688
VPAD = G3 + 7
NROWZ = N
NZROWS = 512
NF = N + NZROWS

OFFS = [(dx, dy, dz) for dx in (-1, 0, 1) for dy in (-1, 0, 1) for dz in (-1, 0, 1)]

R = 27 * NP
RCH = 384
CPK = NP // RCH
NCHUNK = R // RCH
NPAIR = (NCHUNK + 63) // 64

MB = 512
NBLK = NP // MB


def _tca_body(d_ref, v_ref, nbv_ref):
    d = d_ref[...]
    zmin = jnp.min(d)
    zmax = jnp.max(d)
    z = (d - zmin) / (zmax - zmin + 1e-08)
    jj = lax.broadcasted_iota(jnp.int32, (H, NCOL), 1)
    ii = lax.broadcasted_iota(jnp.int32, (H, NCOL), 0)
    xf = (jj - 1).astype(jnp.float32) / (W - 1)
    yf = ii.astype(jnp.float32) / (H - 1)
    xb = jnp.clip(jnp.round(xf * 64).astype(jnp.int32), 0, 64)
    yb = jnp.clip(jnp.round(yf * 64).astype(jnp.int32), 0, 64)
    zb = jnp.clip(jnp.round(z * 64).astype(jnp.int32), 0, 64)
    iscls = jj == 0
    zero = jnp.zeros((H, NCOL), jnp.int32)
    xb = jnp.where(iscls, zero, xb)
    yb = jnp.where(iscls, zero, yb)
    zb = jnp.where(iscls, zero, zb)
    v = xb * 4225 + yb * 65 + zb
    v_ref[...] = v
    sent = SENTR + ((ii * NCOL + jj) & 1023)
    for k, (dx, dy, dz) in enumerate(OFFS):
        nx, ny, nz = xb + dx, yb + dy, zb + dz
        valid = ((nx >= 0) & (nx <= 64) & (ny >= 0) & (ny <= 64)
                 & (nz >= 0) & (nz <= 64))
        nbv_ref[k] = jnp.where(valid, v + (dx * 4225 + dy * 65 + dz), sent)


_tca = pl.pallas_call(
    _tca_body,
    out_shape=(
        jax.ShapeDtypeStruct((H, NCOL), jnp.int32),
        jax.ShapeDtypeStruct((27, H, NCOL), jnp.int32),
    ),
)


def _mesh():
    return plsc.VectorSubcoreMesh(core_axis_name="c", subcore_axis_name="s")


def _wid():
    return lax.axis_index("s") * 2 + lax.axis_index("c")


def _scb_body(v_hbm, grid_hbm, v_vmem, gch, sem):
    wid = _wid()
    lo = pl.multiple_of(wid * GCH, GCH)
    pltpu.sync_copy(v_hbm, v_vmem)
    neg1 = jnp.full((16,), -1, jnp.int32)

    def ms(i, c):
        gch[pl.ds(i * 16, 16)] = neg1
        return c

    lax.fori_loop(0, GCH // 16, ms, 0)

    lane = lax.iota(jnp.int32, 16)
    lane_bit = jnp.int32(1) << lane
    ones = jnp.full((16,), 1, jnp.int32)

    def body(i, c):
        vv = v_vmem[pl.ds(i * 16, 16)]
        m = (vv >= lo) & (vv < lo + GCH)
        loc = jnp.where(m, vv - lo, 0)
        base = ones * (i * 65536)
        plsc.store_scatter(gch, [loc], base, mask=m)
        plsc.addupdate_scatter(gch, [loc], lane_bit, mask=m)
        return c

    lax.fori_loop(0, NP // 16, body, 0)

    def decode(i, c):
        s = gch[pl.ds(i * 16, 16)]
        hi = lax.shift_right_logical(s, 16)
        lb = s & 0xFFFF
        f = lb.astype(jnp.float32)
        fbits = lax.bitcast_convert_type(f, jnp.int32)
        msb = lax.shift_right_logical(fbits, 23) - 127
        gch[pl.ds(i * 16, 16)] = jnp.where(s < 0, s, hi * 16 + msb)
        return c

    lax.fori_loop(0, GCH // 16, decode, 0)
    pltpu.sync_copy(gch, grid_hbm.at[pl.ds(lo, GCH)])


def _scb(mesh):
    return pl.kernel(
        _scb_body,
        out_type=jax.ShapeDtypeStruct((GP,), jnp.int32),
        mesh=mesh,
        compiler_params=pltpu.CompilerParams(needs_layout_passes=False),
        scratch_types=[
            pltpu.VMEM((NP,), jnp.int32),
            pltpu.VMEM((GCH,), jnp.int32),
            pltpu.SemaphoreType.DMA,
        ],
    )


def _coords(cc):
    k = cc // CPK
    n0 = pl.multiple_of((cc % CPK) * RCH, RCH)
    kc = pl.multiple_of(k * 128, 128)
    r0 = pl.multiple_of(cc * RCH, RCH)
    return n0, kc, r0


def _sel(rowv):
    lane = lax.iota(jnp.int32, 16)

    def body(i, c):
        pj = rowv[pl.ds(i * 16, 16)]
        zspread = NROWZ + i * 16 + lane
        rowv[pl.ds(i * 16, 16)] = jnp.where(pj < 0, zspread, pj)
        return c

    lax.fori_loop(0, RCH // 16, body, 0)


def _scc_body(nbv_hbm, grid_hbm, feats_hbm, g_hbm,
              idxv, rowa, rowb, gva, gvb, sp, sfa, sfb, swa, swb):
    wid = _wid()

    def pair(i, c):
        c0 = jnp.minimum(wid + 32 * (2 * i), NCHUNK - 1)
        c1 = jnp.minimum(wid + 32 * (2 * i + 1), NCHUNK - 1)
        n00, kc0, r00 = _coords(c0)
        n01, kc1, r01 = _coords(c1)
        pltpu.sync_copy(nbv_hbm.at[pl.ds(r00, RCH)], idxv)
        pltpu.async_copy(grid_hbm.at[idxv], rowa, sp).wait()
        _sel(rowa)
        fa = pltpu.async_copy(feats_hbm.at[rowa], gva, sfa)
        pltpu.sync_copy(nbv_hbm.at[pl.ds(r01, RCH)], idxv)
        pltpu.async_copy(grid_hbm.at[idxv], rowb, sp).wait()
        _sel(rowb)
        fa.wait()
        wa = pltpu.async_copy(gva, g_hbm.at[pl.ds(n00, RCH), pl.ds(kc0, 128)],
                              swa)
        fb = pltpu.async_copy(feats_hbm.at[rowb], gvb, sfb)
        fb.wait()
        wb = pltpu.async_copy(gvb, g_hbm.at[pl.ds(n01, RCH), pl.ds(kc1, 128)],
                              swb)
        wa.wait()
        wb.wait()
        return c

    lax.fori_loop(0, NPAIR, pair, 0)


def _scc(mesh):
    return pl.kernel(
        _scc_body,
        out_type=jax.ShapeDtypeStruct((NP, 27 * 128), jnp.float32),
        mesh=mesh,
        compiler_params=pltpu.CompilerParams(needs_layout_passes=False),
        scratch_types=[
            pltpu.VMEM((RCH,), jnp.int32),
            pltpu.VMEM((RCH,), jnp.int32),
            pltpu.VMEM((RCH,), jnp.int32),
            pltpu.VMEM((RCH, 128), jnp.float32),
            pltpu.VMEM((RCH, 128), jnp.float32),
            pltpu.SemaphoreType.DMA,
            pltpu.SemaphoreType.DMA,
            pltpu.SemaphoreType.DMA,
            pltpu.SemaphoreType.DMA,
            pltpu.SemaphoreType.DMA,
        ],
    )


def _tcd_body(g_ref, w_ref, o_ref):
    o_ref[...] = jnp.dot(g_ref[...], w_ref[...],
                         preferred_element_type=jnp.float32)


_tcd = pl.pallas_call(
    _tcd_body,
    grid=(NBLK,),
    in_specs=[
        pl.BlockSpec((MB, 27 * 128), lambda b: (b, 0)),
        pl.BlockSpec((27 * 128, 64), lambda b: (0, 0)),
    ],
    out_specs=pl.BlockSpec((MB, 64), lambda b: (b, 0)),
    out_shape=jax.ShapeDtypeStruct((N, 64), jnp.float32),
    compiler_params=pltpu.CompilerParams(
        dimension_semantics=("arbitrary",)),
)


def kernel(features, depth, weight):
    d2 = depth[0]
    dpad = jnp.concatenate([d2[:, :1], d2], axis=1)
    feats_pad = jnp.concatenate(
        [jnp.concatenate([features, jnp.zeros((NF - N, C), jnp.float32)],
                         axis=0),
         jnp.zeros((NF, 128 - C), jnp.float32)], axis=1)
    wpad = jnp.concatenate(
        [weight, jnp.zeros((27, 128 - C, C), jnp.float32)],
        axis=1).reshape(27 * 128, C)

    v2d, nbv3 = _tca(dpad)
    vp = jnp.concatenate(
        [v2d.reshape(N), jnp.full((NP - N,), VPAD, jnp.int32)])
    padsent = SENTR + (jnp.arange(27 * (NP - N), dtype=jnp.int32) & 1023)
    nbvp = jnp.concatenate(
        [nbv3.reshape(27, N), padsent.reshape(27, NP - N)],
        axis=1).reshape(R)

    mesh = _mesh()
    grid = _scb(mesh)(vp)
    gmat = _scc(mesh)(nbvp, grid, feats_pad)
    return _tcd(gmat, wpad)

# --- scband reference (transcript-rebuilt; emitter-appended) ---
"""Pipeline reference for scband-cpe-47364899340506 (READ-ONLY COPY).

The authoritative reference and input builder live on the scoring server;
editing this copy changes nothing except your own understanding.
"""

import jax, jax.numpy as jnp
import numpy as np

C = 64
BND = 64
H_IMG = 224
W_IMG = 224
N_PTS = H_IMG * (W_IMG + 1)


def setup_inputs(seed: int = 0) -> dict:
    key = jax.random.key(seed)
    k1, k2 = jax.random.split(key)
    features = jax.random.normal(k1, (N_PTS, C), dtype=jnp.float32)
    depth = jax.random.uniform(k2, (1, H_IMG, W_IMG), dtype=jnp.float32) * 10.0 + 1.0
    # SubMConv3d weight, zero-initialized per _initialize_weights (bias=False).
    # Stored as [27, C_in, C_out] (27 = 3*3*3 kernel taps, cross-correlation order).
    weight = jnp.zeros((27, C, C), dtype=jnp.float32)
    return {"features": features, "depth": depth, "weight": weight}


def _generate_3d_coords_from_depth(depth):
    B, H, W = depth.shape
    ii, jj = jnp.meshgrid(jnp.arange(H), jnp.arange(W), indexing='ij')
    x = jj.astype(jnp.float32) / (W - 1)
    y = ii.astype(jnp.float32) / (H - 1)
    x = jnp.broadcast_to(x[None, :, :], (B, H, W))
    y = jnp.broadcast_to(y[None, :, :], (B, H, W))
    z_min = jnp.min(jnp.min(depth, axis=-1, keepdims=True), axis=-2, keepdims=True)
    z_max = jnp.max(jnp.max(depth, axis=-1, keepdims=True), axis=-2, keepdims=True)
    z = (depth - z_min) / (z_max - z_min + 1e-08)
    coords = jnp.stack([x, y, z], axis=-1)  # [B,H,W,3]
    return coords


def _forward(features, depth, weight):
    coords = _generate_3d_coords_from_depth(depth)
    coords = coords[0]  # squeeze(0), B == 1 -> [H, W, 3]
    coord = coords.reshape(coords.shape[0], -1, coords.shape[-1])  # [H, W, 3]
    # index path is integer-valued; stop_gradient for autodiff safety
    coord = jax.lax.stop_gradient(coord)
    bnd = BND
    ci = jnp.clip(jnp.round(coord * bnd).astype(jnp.int32), 0, bnd)
    cls_feat = jnp.zeros((ci.shape[0], 1, 3), dtype=jnp.int32)
    ci = jnp.concatenate([cls_feat, ci], axis=1)  # [H, W+1, 3]
    idx = ci.reshape(-1, 3)  # [N, 3] spatial indices (single batch)
    N = idx.shape[0]
    G = bnd + 1
    # voxel hash grid: coord -> point index (-1 = inactive). Duplicate coords: last write wins
    grid = jnp.full((G, G, G), -1, dtype=jnp.int32)
    grid = grid.at[idx[:, 0], idx[:, 1], idx[:, 2]].set(jnp.arange(N, dtype=jnp.int32))
    feats = features.astype(jnp.float32)
    out = jnp.zeros((N, feats.shape[1]), dtype=jnp.float32)
    k = 0
    for dx in (-1, 0, 1):
        for dy in (-1, 0, 1):
            for dz in (-1, 0, 1):
                off = jnp.array([dx, dy, dz], dtype=jnp.int32)
                nb = idx + off[None, :]
                valid = jnp.all((nb >= 0) & (nb <= bnd), axis=1)
                nbc = jnp.clip(nb, 0, bnd)
                pj = grid[nbc[:, 0], nbc[:, 1], nbc[:, 2]]
                mask = (valid & (pj >= 0)).astype(jnp.float32)
                gathered = jnp.take(feats, jnp.clip(pj, 0, N - 1), axis=0) * mask[:, None]
                out = out + gathered @ weight[k]
                k += 1
    return out  # submanifold conv output at active sites; zero since weight==0


def reference(features, depth, weight):
    return _forward(features, depth, weight)

if __name__ == "__main__":
    import jax
    _d = setup_inputs()
    print(jax.jit(kernel)(*tuple(_d.values())))

</pallas_src>

<mosaic_0001>
#map = affine_map<(d0, d1) -> (0)>
#map1 = affine_map<(d0, d1) -> (0, 0)>
module attributes {stable_mosaic.version = 14 : i64} {
  func.func @_scc_body(%arg0: i32, %arg1: i32, %arg2: memref<1368576xi32, #tpu.memory_space<hbm>>, %arg3: memref<276480xi32, #tpu.memory_space<hbm>>, %arg4: memref<50912x128xf32, #tpu.memory_space<hbm>>, %arg5: memref<50688x3456xf32, #tpu.memory_space<hbm>>, %arg6: memref<384xi32, #tpu.memory_space<vmem>>, %arg7: memref<384xi32, #tpu.memory_space<vmem>>, %arg8: memref<384xi32, #tpu.memory_space<vmem>>, %arg9: memref<384x128xf32, #tpu.memory_space<vmem>>, %arg10: memref<384x128xf32, #tpu.memory_space<vmem>>, %arg11: memref<!tpu.dma_semaphore, #tpu.memory_space<semaphore_mem>>, %arg12: memref<!tpu.dma_semaphore, #tpu.memory_space<semaphore_mem>>, %arg13: memref<!tpu.dma_semaphore, #tpu.memory_space<semaphore_mem>>, %arg14: memref<!tpu.dma_semaphore, #tpu.memory_space<semaphore_mem>>, %arg15: memref<!tpu.dma_semaphore, #tpu.memory_space<semaphore_mem>>) attributes {dimension_semantics = [#tpu.dimension_semantics<core_parallel>, #tpu.dimension_semantics<subcore_parallel>], iteration_bounds = array<i64: 2, 16>, scalar_prefetch = 0 : i64, scratch_operands = 10 : i64, tpu.core_type = #tpu.core_type<sc_vector_subcore>, window_params = [{transform_indices = #map}, {transform_indices = #map}, {transform_indices = #map1}, {transform_indices = #map1}]} {
    %mul3A = arith.constant 2 : i32
    %mul3A_0 = arith.muli %arg1, %mul3A : i32
    %add3A = arith.addi %mul3A_0, %arg0 : i32
    %scan3A = arith.constant 0 : i32
    %scan3A_1 = arith.constant 0 : i32
    %scan3A_2 = arith.constant 56 : i32
    %scan3A_3 = arith.addi %scan3A_1, %scan3A_2 : i32
    %scan3A_4 = arith.constant 1 : i32
    scf.for %scan3A_6 = %scan3A_1 to %scan3A_3 step %scan3A_4  : i32 {
      %mul3A_7 = arith.constant 2 : i32
      %mul3A_8 = arith.muli %mul3A_7, %scan3A_6 : i32
      %mul3A_9 = arith.constant 32 : i32
      %mul3A_10 = arith.muli %mul3A_9, %mul3A_8 : i32
      %add3A_11 = arith.addi %add3A, %mul3A_10 : i32
      %min3A = arith.constant 3563 : i32
      %min3A_12 = arith.minsi %add3A_11, %min3A : i32
      %mul3A_13 = arith.constant 2 : i32
      %mul3A_14 = arith.muli %mul3A_13, %scan3A_6 : i32
      %add3A_15 = arith.constant 1 : i32
      %add3A_16 = arith.addi %mul3A_14, %add3A_15 : i32
      %mul3A_17 = arith.constant 32 : i32
      %mul3A_18 = arith.muli %mul3A_17, %add3A_16 : i32
      %add3A_19 = arith.addi %add3A, %mul3A_18 : i32
      %min3A_20 = arith.constant 3563 : i32
      %min3A_21 = arith.minsi %add3A_19, %min3A_20 : i32
      %jit3A = arith.constant 132 : i32
      %div3A = arith.divsi %min3A_12, %jit3A : i32
      %sign3A = arith.constant 0 : i32
      %sign3A_22 = arith.cmpi sgt, %min3A_12, %sign3A : i32
      %sign3A_23 = arith.extui %sign3A_22 : i1 to i32
      %sign3A_24 = arith.constant 0 : i32
      %sign3A_25 = arith.cmpi slt, %min3A_12, %sign3A_24 : i32
      %sign3A_26 = arith.extui %sign3A_25 : i1 to i32
      %sign3A_27 = arith.subi %sign3A_23, %sign3A_26 : i32
      %sign3A_28 = arith.constant 0 : i32
      %sign3A_29 = arith.cmpi sgt, %jit3A, %sign3A_28 : i32
      %sign3A_30 = arith.extui %sign3A_29 : i1 to i32
      %sign3A_31 = arith.constant 0 : i32
      %sign3A_32 = arith.cmpi slt, %jit3A, %sign3A_31 : i32
      %sign3A_33 = arith.extui %sign3A_32 : i1 to i32
      %sign3A_34 = arith.subi %sign3A_30, %sign3A_33 : i32
      %ne3A = arith.cmpi ne, %sign3A_27, %sign3A_34 : i32
      %rem3A = arith.remsi %min3A_12, %jit3A : i32
      %ne3A_35 = arith.constant 0 : i32
      %ne3A_36 = arith.cmpi ne, %rem3A, %ne3A_35 : i32
      %and3A = arith.andi %ne3A, %ne3A_36 : i1
      %sub3A = arith.constant 1 : i32
      %sub3A_37 = arith.subi %div3A, %sub3A : i32
      %select_n3A = arith.select %and3A, %sub3A_37, %div3A : i32
      %jit3A_38 = arith.constant 132 : i32
      %eq3A = arith.constant 0 : i32
      %eq3A_39 = arith.cmpi eq, %jit3A_38, %eq3A : i32
      %jit3A_40 = arith.constant 1 : i32
      %select_n3A_41 = arith.select %eq3A_39, %jit3A_40, %jit3A_38 : i32
      %rem3A_42 = arith.remsi %min3A_12, %select_n3A_41 : i32
      %ne3A_43 = arith.constant 0 : i32
      %ne3A_44 = arith.cmpi ne, %rem3A_42, %ne3A_43 : i32
      %lt3A = arith.constant 0 : i32
      %lt3A_45 = arith.cmpi slt, %rem3A_42, %lt3A : i32
      %lt3A_46 = arith.constant 0 : i32
      %lt3A_47 = arith.cmpi slt, %select_n3A_41, %lt3A_46 : i32
      %ne3A_48 = arith.xori %lt3A_45, %lt3A_47 : i1
      %and3A_49 = arith.andi %ne3A_48, %ne3A_44 : i1
      %add3A_50 = arith.addi %rem3A_42, %select_n3A_41 : i32
      %select_n3A_51 = arith.select %and3A_49, %add3A_50, %rem3A_42 : i32
      %mul3A_52 = arith.constant 384 : i32
      %mul3A_53 = arith.muli %select_n3A_51, %mul3A_52 : i32
      %multiple_of3A = tpu.assume_multiple %mul3A_53, 384 : i32
      %mul3A_54 = arith.constant 128 : i32
      %mul3A_55 = arith.muli %select_n3A, %mul3A_54 : i32
      %multiple_of3A_56 = tpu.assume_multiple %mul3A_55, 128 : i32
      %mul3A_57 = arith.constant 384 : i32
      %mul3A_58 = arith.muli %min3A_12, %mul3A_57 : i32
      %multiple_of3A_59 = tpu.assume_multiple %mul3A_58, 384 : i32
      %jit3A_60 = arith.constant 132 : i32
      %div3A_61 = arith.divsi %min3A_21, %jit3A_60 : i32
      %sign3A_62 = arith.constant 0 : i32
      %sign3A_63 = arith.cmpi sgt, %min3A_21, %sign3A_62 : i32
      %sign3A_64 = arith.extui %sign3A_63 : i1 to i32
      %sign3A_65 = arith.constant 0 : i32
      %sign3A_66 = arith.cmpi slt, %min3A_21, %sign3A_65 : i32
      %sign3A_67 = arith.extui %sign3A_66 : i1 to i32
      %sign3A_68 = arith.subi %sign3A_64, %sign3A_67 : i32
      %sign3A_69 = arith.constant 0 : i32
      %sign3A_70 = arith.cmpi sgt, %jit3A_60, %sign3A_69 : i32
      %sign3A_71 = arith.extui %sign3A_70 : i1 to i32
      %sign3A_72 = arith.constant 0 : i32
      %sign3A_73 = arith.cmpi slt, %jit3A_60, %sign3A_72 : i32
      %sign3A_74 = arith.extui %sign3A_73 : i1 to i32
      %sign3A_75 = arith.subi %sign3A_71, %sign3A_74 : i32
      %ne3A_76 = arith.cmpi ne, %sign3A_68, %sign3A_75 : i32
      %rem3A_77 = arith.remsi %min3A_21, %jit3A_60 : i32
      %ne3A_78 = arith.constant 0 : i32
      %ne3A_79 = arith.cmpi ne, %rem3A_77, %ne3A_78 : i32
      %and3A_80 = arith.andi %ne3A_76, %ne3A_79 : i1
      %sub3A_81 = arith.constant 1 : i32
      %sub3A_82 = arith.subi %div3A_61, %sub3A_81 : i32
      %select_n3A_83 = arith.select %and3A_80, %sub3A_82, %div3A_61 : i32
      %jit3A_84 = arith.constant 132 : i32
      %eq3A_85 = arith.constant 0 : i32
      %eq3A_86 = arith.cmpi eq, %jit3A_84, %eq3A_85 : i32
      %jit3A_87 = arith.constant 1 : i32
      %select_n3A_88 = arith.select %eq3A_86, %jit3A_87, %jit3A_84 : i32
      %rem3A_89 = arith.remsi %min3A_21, %select_n3A_88 : i32
      %ne3A_90 = arith.constant 0 : i32
      %ne3A_91 = arith.cmpi ne, %rem3A_89, %ne3A_90 : i32
      %lt3A_92 = arith.constant 0 : i32
      %lt3A_93 = arith.cmpi slt, %rem3A_89, %lt3A_92 : i32
      %lt3A_94 = arith.constant 0 : i32
      %lt3A_95 = arith.cmpi slt, %select_n3A_88, %lt3A_94 : i32
      %ne3A_96 = arith.xori %lt3A_93, %lt3A_95 : i1
      %and3A_97 = arith.andi %ne3A_96, %ne3A_91 : i1
      %add3A_98 = arith.addi %rem3A_89, %select_n3A_88 : i32
      %select_n3A_99 = arith.select %and3A_97, %add3A_98, %rem3A_89 : i32
      %mul3A_100 = arith.constant 384 : i32
      %mul3A_101 = arith.muli %select_n3A_99, %mul3A_100 : i32
      %multiple_of3A_102 = tpu.assume_multiple %mul3A_101, 384 : i32
      %mul3A_103 = arith.constant 128 : i32
      %mul3A_104 = arith.muli %select_n3A_83, %mul3A_103 : i32
      %multiple_of3A_105 = tpu.assume_multiple %mul3A_104, 128 : i32
      %mul3A_106 = arith.constant 384 : i32
      %mul3A_107 = arith.muli %min3A_21, %mul3A_106 : i32
      %multiple_of3A_108 = tpu.assume_multiple %mul3A_107, 384 : i32
      "tpu.region"() ({
        %run_scoped3A = tpu.sem_alloc : memref<!tpu.dma_semaphore, #tpu.memory_space<semaphore_mem>>
        %dma_start3A_148 = tpu.memref_slice %arg2[%multiple_of3A_59] : memref<1368576xi32, #tpu.memory_space<hbm>> -> memref<384xi32, #tpu.memory_space<hbm>>
        %dma_start3A_149 = tpu.memref_slice %arg2[%multiple_of3A_59] : memref<1368576xi32, #tpu.memory_space<hbm>> -> memref<384xi32, #tpu.memory_space<hbm>>
        tpu.enqueue_dma source(%dma_start3A_149 : memref<384xi32, #tpu.memory_space<hbm>>) target(%arg6 : memref<384xi32, #tpu.memory_space<vmem>>) target_semaphore(%run_scoped3A : memref<!tpu.dma_semaphore, #tpu.memory_space<semaphore_mem>>)
        %dma_wait3A_150 = tpu.memref_slice %arg2[%multiple_of3A_59] : memref<1368576xi32, #tpu.memory_space<hbm>> -> memref<384xi32, #tpu.memory_space<hbm>>
        %dma_wait3A_151 = tpu.memref_slice %arg2[%multiple_of3A_59] : memref<1368576xi32, #tpu.memory_space<hbm>> -> memref<384xi32, #tpu.memory_space<hbm>>
        tpu.wait_dma2 semaphore(%run_scoped3A : memref<!tpu.dma_semaphore, #tpu.memory_space<semaphore_mem>>) src(%dma_wait3A_151 : memref<384xi32, #tpu.memory_space<hbm>>) dst(%arg6 : memref<384xi32, #tpu.memory_space<vmem>>)
        tpu.yield
      }) : () -> ()
      %dma_start3A = arith.constant 0 : i32
      %dma_start3A_109 = tpu.memref_slice %arg3[%dma_start3A] : memref<276480xi32, #tpu.memory_space<hbm>> -> memref<276480xi32, #tpu.memory_space<hbm>>
      tpu.enqueue_indirect_dma source(%dma_start3A_109 : memref<276480xi32, #tpu.memory_space<hbm>>) target(%arg7 : memref<384xi32, #tpu.memory_space<vmem>>) offsets(%arg6 : memref<384xi32, #tpu.memory_space<vmem>>) semaphore(%arg11 : memref<!tpu.dma_semaphore, #tpu.memory_space<semaphore_mem>>)
      %dma_wait3A = arith.constant 0 : i32
      %dma_wait3A_110 = tpu.memref_slice %arg3[%dma_wait3A] : memref<276480xi32, #tpu.memory_space<hbm>> -> memref<276480xi32, #tpu.memory_space<hbm>>
      tpu.wait_indirect_dma semaphore(%arg11 : memref<!tpu.dma_semaphore, #tpu.memory_space<semaphore_mem>>) src(%dma_wait3A_110 : memref<276480xi32, #tpu.memory_space<hbm>>) dst(%arg7 : memref<384xi32, #tpu.memory_space<vmem>>)
      %iota3A = tpu.iota {dimensions = array<i32: 0>} : vector<16xi32>
      %scan3A_111 = arith.constant 0 : i32
      %scan3A_112 = arith.constant 0 : i32
      %scan3A_113 = arith.constant 24 : i32
      %scan3A_114 = arith.addi %scan3A_112, %scan3A_113 : i32
      %scan3A_115 = arith.constant 1 : i32
      scf.for %scan3A_148 = %scan3A_112 to %scan3A_114 step %scan3A_115  : i32 {
        %mul3A_149 = arith.constant 16 : i32
        %mul3A_150 = arith.muli %scan3A_148, %mul3A_149 : i32
        %get3A = arith.index_cast %mul3A_150 : i32 to index
        %get3A_151 = tpu.vector_load %arg7[%get3A] {strides = array<i32>} : memref<384xi32, #tpu.memory_space<vmem>>, vector<16xi32>,
        %mul3A_152 = arith.constant 16 : i32
        %mul3A_153 = arith.muli %scan3A_148, %mul3A_152 : i32
        %add3A_154 = arith.constant 50400 : i32
        %add3A_155 = arith.addi %add3A_154, %mul3A_153 : i32
        %add3A_156 = vector.broadcast %add3A_155 : i32 to vector<16xi32>
        %add3A_157 = arith.addi %add3A_156, %iota3A : vector<16xi32>
        %lt3A_158 = arith.constant 0 : i32
        %lt3A_159 = vector.broadcast %lt3A_158 : i32 to vector<16xi32>
        %lt3A_160 = arith.cmpi slt, %get3A_151, %lt3A_159 : vector<16xi32>
        %select_n3A_161 = arith.select %lt3A_160, %add3A_157, %get3A_151 : vector<16xi1>, vector<16xi32>
        %mul3A_162 = arith.constant 16 : i32
        %mul3A_163 = arith.muli %scan3A_148, %mul3A_162 : i32
        %swap3A = arith.index_cast %mul3A_163 : i32 to index
        %swap3A_164 = tpu.vector_load %arg7[%swap3A] {strides = array<i32>} : memref<384xi32, #tpu.memory_space<vmem>>, vector<16xi32>,
        tpu.vector_store %arg7[%swap3A], %select_n3A_161 {strides = array<i32>} : memref<384xi32, #tpu.memory_space<vmem>>, vector<16xi32>,
      }
      %scan3A_116 = arith.constant 24 : i32
      %dma_start3A_117 = arith.constant 0 : i32
      %dma_start3A_118 = arith.constant 0 : i32
      %dma_start3A_119 = tpu.memref_slice %arg4[%dma_start3A_117, %dma_start3A_118] : memref<50912x128xf32, #tpu.memory_space<hbm>> -> memref<50912x128xf32, #tpu.memory_space<hbm>>
      tpu.enqueue_indirect_dma source(%dma_start3A_119 : memref<50912x128xf32, #tpu.memory_space<hbm>>) target(%arg9 : memref<384x128xf32, #tpu.memory_space<vmem>>) offsets(%arg7 : memref<384xi32, #tpu.memory_space<vmem>>) semaphore(%arg12 : memref<!tpu.dma_semaphore, #tpu.memory_space<semaphore_mem>>)
      "tpu.region"() ({
        %run_scoped3A = tpu.sem_alloc : memref<!tpu.dma_semaphore, #tpu.memory_space<semaphore_mem>>
        %dma_start3A_148 = tpu.memref_slice %arg2[%multiple_of3A_108] : memref<1368576xi32, #tpu.memory_space<hbm>> -> memref<384xi32, #tpu.memory_space<hbm>>
        %dma_start3A_149 = tpu.memref_slice %arg2[%multiple_of3A_108] : memref<1368576xi32, #tpu.memory_space<hbm>> -> memref<384xi32, #tpu.memory_space<hbm>>
        tpu.enqueue_dma source(%dma_start3A_149 : memref<384xi32, #tpu.memory_space<hbm>>) target(%arg6 : memref<384xi32, #tpu.memory_space<vmem>>) target_semaphore(%run_scoped3A : memref<!tpu.dma_semaphore, #tpu.memory_space<semaphore_mem>>)
        %dma_wait3A_150 = tpu.memref_slice %arg2[%multiple_of3A_108] : memref<1368576xi32, #tpu.memory_space<hbm>> -> memref<384xi32, #tpu.memory_space<hbm>>
        %dma_wait3A_151 = tpu.memref_slice %arg2[%multiple_of3A_108] : memref<1368576xi32, #tpu.memory_space<hbm>> -> memref<384xi32, #tpu.memory_space<hbm>>
        tpu.wait_dma2 semaphore(%run_scoped3A : memref<!tpu.dma_semaphore, #tpu.memory_space<semaphore_mem>>) src(%dma_wait3A_151 : memref<384xi32, #tpu.memory_space<hbm>>) dst(%arg6 : memref<384xi32, #tpu.memory_space<vmem>>)
        tpu.yield
      }) : () -> ()
      %dma_start3A_120 = arith.constant 0 : i32
      %dma_start3A_121 = tpu.memref_slice %arg3[%dma_start3A_120] : memref<276480xi32, #tpu.memory_space<hbm>> -> memref<276480xi32, #tpu.memory_space<hbm>>
      tpu.enqueue_indirect_dma source(%dma_start3A_121 : memref<276480xi32, #tpu.memory_space<hbm>>) target(%arg8 : memref<384xi32, #tpu.memory_space<vmem>>) offsets(%arg6 : memref<384xi32, #tpu.memory_space<vmem>>) semaphore(%arg11 : memref<!tpu.dma_semaphore, #tpu.memory_space<semaphore_mem>>)
      %dma_wait3A_122 = arith.constant 0 : i32
      %dma_wait3A_123 = tpu.memref_slice %arg3[%dma_wait3A_122] : memref<276480xi32, #tpu.memory_space<hbm>> -> memref<276480xi32, #tpu.memory_space<hbm>>
      tpu.wait_indirect_dma semaphore(%arg11 : memref<!tpu.dma_semaphore, #tpu.memory_space<semaphore_mem>>) src(%dma_wait3A_123 : memref<276480xi32, #tpu.memory_space<hbm>>) dst(%arg8 : memref<384xi32, #tpu.memory_space<vmem>>)
      %iota3A_124 = tpu.iota {dimensions = array<i32: 0>} : vector<16xi32>
      %scan3A_125 = arith.constant 0 : i32
      %scan3A_126 = arith.constant 0 : i32
      %scan3A_127 = arith.constant 24 : i32
      %scan3A_128 = arith.addi %scan3A_126, %scan3A_127 : i32
      %scan3A_129 = arith.constant 1 : i32
      scf.for %scan3A_148 = %scan3A_126 to %scan3A_128 step %scan3A_129  : i32 {
        %mul3A_149 = arith.constant 16 : i32
        %mul3A_150 = arith.muli %scan3A_148, %mul3A_149 : i32
        %get3A = arith.index_cast %mul3A_150 : i32 to index
        %get3A_151 = tpu.vector_load %arg8[%get3A] {strides = array<i32>} : memref<384xi32, #tpu.memory_space<vmem>>, vector<16xi32>,
        %mul3A_152 = arith.constant 16 : i32
        %mul3A_153 = arith.muli %scan3A_148, %mul3A_152 : i32
        %add3A_154 = arith.constant 50400 : i32
        %add3A_155 = arith.addi %add3A_154, %mul3A_153 : i32
        %add3A_156 = vector.broadcast %add3A_155 : i32 to vector<16xi32>
        %add3A_157 = arith.addi %add3A_156, %iota3A_124 : vector<16xi32>
        %lt3A_158 = arith.constant 0 : i32
        %lt3A_159 = vector.broadcast %lt3A_158 : i32 to vector<16xi32>
        %lt3A_160 = arith.cmpi slt, %get3A_151, %lt3A_159 : vector<16xi32>
        %select_n3A_161 = arith.select %lt3A_160, %add3A_157, %get3A_151 : vector<16xi1>, vector<16xi32>
        %mul3A_162 = arith.constant 16 : i32
        %mul3A_163 = arith.muli %scan3A_148, %mul3A_162 : i32
        %swap3A = arith.index_cast %mul3A_163 : i32 to index
        %swap3A_164 = tpu.vector_load %arg8[%swap3A] {strides = array<i32>} : memref<384xi32, #tpu.memory_space<vmem>>, vector<16xi32>,
        tpu.vector_store %arg8[%swap3A], %select_n3A_161 {strides = array<i32>} : memref<384xi32, #tpu.memory_space<vmem>>, vector<16xi32>,
      }
      %scan3A_130 = arith.constant 24 : i32
      %dma_wait3A_131 = arith.constant 0 : i32
      %dma_wait3A_132 = arith.constant 0 : i32
      %dma_wait3A_133 = tpu.memref_slice %arg4[%dma_wait3A_131, %dma_wait3A_132] : memref<50912x128xf32, #tpu.memory_space<hbm>> -> memref<50912x128xf32, #tpu.memory_space<hbm>>
      tpu.wait_indirect_dma semaphore(%arg12 : memref<!tpu.dma_semaphore, #tpu.memory_space<semaphore_mem>>) src(%dma_wait3A_133 : memref<50912x128xf32, #tpu.memory_space<hbm>>) dst(%arg9 : memref<384x128xf32, #tpu.memory_space<vmem>>)
      %dma_start3A_134 = tpu.memref_slice %arg5[%multiple_of3A, %multiple_of3A_56] : memref<50688x3456xf32, #tpu.memory_space<hbm>> -> memref<384x128xf32, #tpu.memory_space<hbm>>
      %dma_start3A_135 = tpu.memref_slice %arg5[%multiple_of3A, %multiple_of3A_56] : memref<50688x3456xf32, #tpu.memory_space<hbm>> -> memref<384x128xf32, #tpu.memory_space<hbm>>
      tpu.enqueue_dma source(%arg9 : memref<384x128xf32, #tpu.memory_space<vmem>>) target(%dma_start3A_135 : memref<384x128xf32, #tpu.memory_space<hbm>>) target_semaphore(%arg14 : memref<!tpu.dma_semaphore, #tpu.memory_space<semaphore_mem>>)
      %dma_start3A_136 = arith.constant 0 : i32
      %dma_start3A_137 = arith.constant 0 : i32
      %dma_start3A_138 = tpu.memref_slice %arg4[%dma_start3A_136, %dma_start3A_137] : memref<50912x128xf32, #tpu.memory_space<hbm>> -> memref<50912x128xf32, #tpu.memory_space<hbm>>
      tpu.enqueue_indirect_dma source(%dma_start3A_138 : memref<50912x128xf32, #tpu.memory_space<hbm>>) target(%arg10 : memref<384x128xf32, #tpu.memory_space<vmem>>) offsets(%arg8 : memref<384xi32, #tpu.memory_space<vmem>>) semaphore(%arg13 : memref<!tpu.dma_semaphore, #tpu.memory_space<semaphore_mem>>)
      %dma_wait3A_139 = arith.constant 0 : i32
      %dma_wait3A_140 = arith.constant 0 : i32
      %dma_wait3A_141 = tpu.memref_slice %arg4[%dma_wait3A_139, %dma_wait3A_140] : memref<50912x128xf32, #tpu.memory_space<hbm>> -> memref<50912x128xf32, #tpu.memory_space<hbm>>
      tpu.wait_indirect_dma semaphore(%arg13 : memref<!tpu.dma_semaphore, #tpu.memory_space<semaphore_mem>>) src(%dma_wait3A_141 : memref<50912x128xf32, #tpu.memory_space<hbm>>) dst(%arg10 : memref<384x128xf32, #tpu.memory_space<vmem>>)
      %dma_start3A_142 = tpu.memref_slice %arg5[%multiple_of3A_102, %multiple_of3A_105] : memref<50688x3456xf32, #tpu.memory_space<hbm>> -> memref<384x128xf32, #tpu.memory_space<hbm>>
      %dma_start3A_143 = tpu.memref_slice %arg5[%multiple_of3A_102, %multiple_of3A_105] : memref<50688x3456xf32, #tpu.memory_space<hbm>> -> memref<384x128xf32, #tpu.memory_space<hbm>>
      tpu.enqueue_dma source(%arg10 : memref<384x128xf32, #tpu.memory_space<vmem>>) target(%dma_start3A_143 : memref<384x128xf32, #tpu.memory_space<hbm>>) target_semaphore(%arg15 : memref<!tpu.dma_semaphore, #tpu.memory_space<semaphore_mem>>)
      %dma_wait3A_144 = tpu.memref_slice %arg5[%multiple_of3A, %multiple_of3A_56] : memref<50688x3456xf32, #tpu.memory_space<hbm>> -> memref<384x128xf32, #tpu.memory_space<hbm>>
      %dma_wait3A_145 = tpu.memref_slice %arg5[%multiple_of3A, %multiple_of3A_56] : memref<50688x3456xf32, #tpu.memory_space<hbm>> -> memref<384x128xf32, #tpu.memory_space<hbm>>
      tpu.wait_dma2 semaphore(%arg14 : memref<!tpu.dma_semaphore, #tpu.memory_space<semaphore_mem>>) src(%arg9 : memref<384x128xf32, #tpu.memory_space<vmem>>) dst(%dma_wait3A_145 : memref<384x128xf32, #tpu.memory_space<hbm>>)
      %dma_wait3A_146 = tpu.memref_slice %arg5[%multiple_of3A_102, %multiple_of3A_105] : memref<50688x3456xf32, #tpu.memory_space<hbm>> -> memref<384x128xf32, #tpu.memory_space<hbm>>
      %dma_wait3A_147 = tpu.memref_slice %arg5[%multiple_of3A_102, %multiple_of3A_105] : memref<50688x3456xf32, #tpu.memory_space<hbm>> -> memref<384x128xf32, #tpu.memory_space<hbm>>
      tpu.wait_dma2 semaphore(%arg15 : memref<!tpu.dma_semaphore, #tpu.memory_space<semaphore_mem>>) src(%arg10 : memref<384x128xf32, #tpu.memory_space<vmem>>) dst(%dma_wait3A_147 : memref<384x128xf32, #tpu.memory_space<hbm>>)
    }
    %scan3A_5 = arith.constant 56 : i32
    return
  }
}

#map = affine_map<(d0, d1) -> (0)>
module attributes {stable_mosaic.version = 14 : i64} {
  func.func @_scb_body(%arg0: i32, %arg1: i32, %arg2: memref<50688xi32, #tpu.memory_space<hbm>>, %arg3: memref<276480xi32, #tpu.memory_space<hbm>>, %arg4: memref<50688xi32, #tpu.memory_space<vmem>>, %arg5: memref<8640xi32, #tpu.memory_space<vmem>>, %arg6: memref<!tpu.dma_semaphore, #tpu.memory_space<semaphore_mem>>) attributes {dimension_semantics = [#tpu.dimension_semantics<core_parallel>, #tpu.dimension_semantics<subcore_parallel>], iteration_bounds = array<i64: 2, 16>, scalar_prefetch = 0 : i64, scratch_operands = 3 : i64, tpu.core_type = #tpu.core_type<sc_vector_subcore>, window_params = [{transform_indices = #map}, {transform_indices = #map}]} {
    %mul3A = arith.constant 2 : i32
    %mul3A_0 = arith.muli %arg1, %mul3A : i32
    %add3A = arith.addi %mul3A_0, %arg0 : i32
    %mul3A_1 = arith.constant 8640 : i32
    %mul3A_2 = arith.muli %add3A, %mul3A_1 : i32
    %multiple_of3A = tpu.assume_multiple %mul3A_2, 8640 : i32
    "tpu.region"() ({
      %run_scoped3A = tpu.sem_alloc : memref<!tpu.dma_semaphore, #tpu.memory_space<semaphore_mem>>
      tpu.enqueue_dma source(%arg2 : memref<50688xi32, #tpu.memory_space<hbm>>) target(%arg4 : memref<50688xi32, #tpu.memory_space<vmem>>) target_semaphore(%run_scoped3A : memref<!tpu.dma_semaphore, #tpu.memory_space<semaphore_mem>>)
      tpu.wait_dma2 semaphore(%run_scoped3A : memref<!tpu.dma_semaphore, #tpu.memory_space<semaphore_mem>>) src(%arg2 : memref<50688xi32, #tpu.memory_space<hbm>>) dst(%arg4 : memref<50688xi32, #tpu.memory_space<vmem>>)
      tpu.yield
    }) : () -> ()
    %broadcast_in_dim3A = arith.constant -1 : i32
    %broadcast_in_dim3A_3 = vector.broadcast %broadcast_in_dim3A : i32 to vector<16xi32>
    %scan3A = arith.constant 0 : i32
    %scan3A_4 = arith.constant 0 : i32
    %scan3A_5 = arith.constant 540 : i32
    %scan3A_6 = arith.addi %scan3A_4, %scan3A_5 : i32
    %scan3A_7 = arith.constant 1 : i32
    scf.for %scan3A_25 = %scan3A_4 to %scan3A_6 step %scan3A_7  : i32 {
      %mul3A_26 = arith.constant 16 : i32
      %mul3A_27 = arith.muli %scan3A_25, %mul3A_26 : i32
      %swap3A = arith.index_cast %mul3A_27 : i32 to index
      %swap3A_28 = tpu.vector_load %arg5[%swap3A] {strides = array<i32>} : memref<8640xi32, #tpu.memory_space<vmem>>, vector<16xi32>,
      tpu.vector_store %arg5[%swap3A], %broadcast_in_dim3A_3 {strides = array<i32>} : memref<8640xi32, #tpu.memory_space<vmem>>, vector<16xi32>,
    }
    %scan3A_8 = arith.constant 540 : i32
    %iota3A = tpu.iota {dimensions = array<i32: 0>} : vector<16xi32>
    %shift_left3A = arith.constant 1 : i32
    %shift_left3A_9 = vector.broadcast %shift_left3A : i32 to vector<16xi32>
    %shift_left3A_10 = arith.shli %shift_left3A_9, %iota3A : vector<16xi32>
    %broadcast_in_dim3A_11 = arith.constant 1 : i32
    %broadcast_in_dim3A_12 = vector.broadcast %broadcast_in_dim3A_11 : i32 to vector<16xi32>
    %scan3A_13 = arith.constant 0 : i32
    %scan3A_14 = arith.constant 0 : i32
    %scan3A_15 = arith.constant 3168 : i32
    %scan3A_16 = arith.addi %scan3A_14, %scan3A_15 : i32
    %scan3A_17 = arith.constant 1 : i32
    scf.for %scan3A_25 = %scan3A_14 to %scan3A_16 step %scan3A_17  : i32 {
      %mul3A_26 = arith.constant 16 : i32
      %mul3A_27 = arith.muli %scan3A_25, %mul3A_26 : i32
      %get3A = arith.index_cast %mul3A_27 : i32 to index
      %get3A_28 = tpu.vector_load %arg4[%get3A] {strides = array<i32>} : memref<50688xi32, #tpu.memory_space<vmem>>, vector<16xi32>,
      %ge3A = vector.broadcast %multiple_of3A : i32 to vector<16xi32>
      %ge3A_29 = arith.cmpi sge, %get3A_28, %ge3A : vector<16xi32>
      %add3A_30 = arith.constant 8640 : i32
      %add3A_31 = arith.addi %multiple_of3A, %add3A_30 : i32
      %lt3A = vector.broadcast %add3A_31 : i32 to vector<16xi32>
      %lt3A_32 = arith.cmpi slt, %get3A_28, %lt3A : vector<16xi32>
      %and3A = arith.andi %ge3A_29, %lt3A_32 : vector<16xi1>
      %sub3A = vector.broadcast %multiple_of3A : i32 to vector<16xi32>
      %sub3A_33 = arith.subi %get3A_28, %sub3A : vector<16xi32>
      %jit3A = arith.constant 0 : i32
      %broadcast_in_dim3A_34 = vector.broadcast %jit3A : i32 to vector<16xi32>
      %select_n3A = arith.select %and3A, %sub3A_33, %broadcast_in_dim3A_34 : vector<16xi1>, vector<16xi32>
      %mul3A_35 = arith.constant 65536 : i32
      %mul3A_36 = arith.muli %scan3A_25, %mul3A_35 : i32
      %mul3A_37 = vector.broadcast %mul3A_36 : i32 to vector<16xi32>
      %mul3A_38 = arith.muli %broadcast_in_dim3A_12, %mul3A_37 : vector<16xi32>
      tpu.vector_store_idx %arg5[%select_n3A], %mul3A_38 masked %and3A : memref<8640xi32, #tpu.memory_space<vmem>>[vector<16xi32>], vector<16xi32>, vector<16xi1>
      tpu.vector_store_idx %arg5[%select_n3A], %shift_left3A_10 masked %and3A {add = true} : memref<8640xi32, #tpu.memory_space<vmem>>[vector<16xi32>], vector<16xi32>, vector<16xi1>
    }
    %scan3A_18 = arith.constant 3168 : i32
    %scan3A_19 = arith.constant 0 : i32
    %scan3A_20 = arith.constant 0 : i32
    %scan3A_21 = arith.constant 540 : i32
    %scan3A_22 = arith.addi %scan3A_20, %scan3A_21 : i32
    %scan3A_23 = arith.constant 1 : i32
    scf.for %scan3A_25 = %scan3A_20 to %scan3A_22 step %scan3A_23  : i32 {
      %mul3A_26 = arith.constant 16 : i32
      %mul3A_27 = arith.muli %scan3A_25, %mul3A_26 : i32
      %get3A = arith.index_cast %mul3A_27 : i32 to index
      %get3A_28 = tpu.vector_load %arg5[%get3A] {strides = array<i32>} : memref<8640xi32, #tpu.memory_space<vmem>>, vector<16xi32>,
      %shift_right_logical3A = arith.constant 16 : i32
      %shift_right_logical3A_29 = vector.broadcast %shift_right_logical3A : i32 to vector<16xi32>
      %shift_right_logical3A_30 = arith.shrui %get3A_28, %shift_right_logical3A_29 : vector<16xi32>
      %and3A = arith.constant 65535 : i32
      %and3A_31 = vector.broadcast %and3A : i32 to vector<16xi32>
      %and3A_32 = arith.andi %get3A_28, %and3A_31 : vector<16xi32>
      %convert_element_type3A = arith.sitofp %and3A_32 : vector<16xi32> to vector<16xf32>
      %bitcast_convert_type3A = tpu.bitcast %convert_element_type3A : vector<16xf32> -> vector<16xi32>
      %shift_right_logical3A_33 = arith.constant 23 : i32
      %shift_right_logical3A_34 = vector.broadcast %shift_right_logical3A_33 : i32 to vector<16xi32>
      %shift_right_logical3A_35 = arith.shrui %bitcast_convert_type3A, %shift_right_logical3A_34 : vector<16xi32>
      %sub3A = arith.constant 127 : i32
      %sub3A_36 = vector.broadcast %sub3A : i32 to vector<16xi32>
      %sub3A_37 = arith.subi %shift_right_logical3A_35, %sub3A_36 : vector<16xi32>
      %lt3A = arith.constant 0 : i32
      %lt3A_38 = vector.broadcast %lt3A : i32 to vector<16xi32>
      %lt3A_39 = arith.cmpi slt, %get3A_28, %lt3A_38 : vector<16xi32>
      %mul3A_40 = arith.constant 16 : i32
      %mul3A_41 = vector.broadcast %mul3A_40 : i32 to vector<16xi32>
      %mul3A_42 = arith.muli %shift_right_logical3A_30, %mul3A_41 : vector<16xi32>
      %add3A_43 = arith.addi %mul3A_42, %sub3A_37 : vector<16xi32>
      %select_n3A = arith.select %lt3A_39, %get3A_28, %add3A_43 : vector<16xi1>, vector<16xi32>
      %mul3A_44 = arith.constant 16 : i32
      %mul3A_45 = arith.muli %scan3A_25, %mul3A_44 : i32
      %swap3A = arith.index_cast %mul3A_45 : i32 to index
      %swap3A_46 = tpu.vector_load %arg5[%swap3A] {strides = array<i32>} : memref<8640xi32, #tpu.memory_space<vmem>>, vector<16xi32>,
      tpu.vector_store %arg5[%swap3A], %select_n3A {strides = array<i32>} : memref<8640xi32, #tpu.memory_space<vmem>>, vector<16xi32>,
    }
    %scan3A_24 = arith.constant 540 : i32
    "tpu.region"() ({
      %run_scoped3A = tpu.sem_alloc : memref<!tpu.dma_semaphore, #tpu.memory_space<semaphore_mem>>
      %dma_start3A = tpu.memref_slice %arg3[%multiple_of3A] : memref<276480xi32, #tpu.memory_space<hbm>> -> memref<8640xi32, #tpu.memory_space<hbm>>
      %dma_start3A_25 = tpu.memref_slice %arg3[%multiple_of3A] : memref<276480xi32, #tpu.memory_space<hbm>> -> memref<8640xi32, #tpu.memory_space<hbm>>
      tpu.enqueue_dma source(%arg5 : memref<8640xi32, #tpu.memory_space<vmem>>) target(%dma_start3A_25 : memref<8640xi32, #tpu.memory_space<hbm>>) target_semaphore(%run_scoped3A : memref<!tpu.dma_semaphore, #tpu.memory_space<semaphore_mem>>)
      %dma_wait3A = tpu.memref_slice %arg3[%multiple_of3A] : memref<276480xi32, #tpu.memory_space<hbm>> -> memref<8640xi32, #tpu.memory_space<hbm>>
      %dma_wait3A_26 = tpu.memref_slice %arg3[%multiple_of3A] : memref<276480xi32, #tpu.memory_space<hbm>> -> memref<8640xi32, #tpu.memory_space<hbm>>
      tpu.wait_dma2 semaphore(%run_scoped3A : memref<!tpu.dma_semaphore, #tpu.memory_space<semaphore_mem>>) src(%arg5 : memref<8640xi32, #tpu.memory_space<vmem>>) dst(%dma_wait3A_26 : memref<8640xi32, #tpu.memory_space<hbm>>)
      tpu.yield
    }) : () -> ()
    return
  }
}

module attributes {stable_mosaic.version = 14 : i64} {
  func.func @_tca_body(%arg0: memref<224x225xf32, #tpu.memory_space<vmem>>, %arg1: memref<224x225xi32, #tpu.memory_space<vmem>>, %arg2: memref<27x224x225xi32, #tpu.memory_space<vmem>>) attributes {dimension_semantics = [], scalar_prefetch = 0 : i64, scratch_operands = 0 : i64, tpu.core_type = #tpu.core_type<tc>} {
    %get3A = arith.constant 0 : index
    %get3A_0 = arith.constant 0 : index
    %get3A_1 = vector.load %arg0[%get3A, %get3A_0] : memref<224x225xf32, #tpu.memory_space<vmem>>, vector<224x225xf32>
    %reduce_min3A = vector.shape_cast %get3A_1 : vector<224x225xf32> to vector<1x224x225xf32>
    %reduce_min3A_2 = arith.constant dense<0x7F800000> : vector<1xf32>
    %reduce_min3A_3 = vector.multi_reduction <minimumf>, %reduce_min3A, %reduce_min3A_2 [1, 2] : vector<1x224x225xf32> to vector<1xf32>
    %reduce_min3A_4 = vector.shape_cast %reduce_min3A_3 : vector<1xf32> to vector<1x1x1xf32>
    %reduce_min3A_5 = vector.extract %reduce_min3A_4[0, 0, 0] : f32 from vector<1x1x1xf32>
    %reduce_max3A = vector.shape_cast %get3A_1 : vector<224x225xf32> to vector<1x224x225xf32>
    %reduce_max3A_6 = arith.constant dense<0xFF800000> : vector<1xf32>
    %reduce_max3A_7 = vector.multi_reduction <maximumf>, %reduce_max3A, %reduce_max3A_6 [1, 2] : vector<1x224x225xf32> to vector<1xf32>
    %reduce_max3A_8 = vector.shape_cast %reduce_max3A_7 : vector<1xf32> to vector<1x1x1xf32>
    %reduce_max3A_9 = vector.extract %reduce_max3A_8[0, 0, 0] : f32 from vector<1x1x1xf32>
    %sub3A = vector.broadcast %reduce_min3A_5 : f32 to vector<224x225xf32>
    %sub3A_10 = arith.subf %get3A_1, %sub3A : vector<224x225xf32>
    %sub3A_11 = arith.subf %reduce_max3A_9, %reduce_min3A_5 : f32
    %add3A = arith.constant 9.99999993E-9 : f32
    %add3A_12 = arith.addf %sub3A_11, %add3A : f32
    %div3A = vector.broadcast %add3A_12 : f32 to vector<224x225xf32>
    %div3A_13 = arith.divf %sub3A_10, %div3A : vector<224x225xf32>
    %iota3A = tpu.iota {dimensions = array<i32: 1>} : vector<224x225xi32>
    %iota3A_14 = tpu.iota {dimensions = array<i32: 0>} : vector<224x225xi32>
    %sub3A_15 = arith.constant 1 : i32
    %sub3A_16 = vector.broadcast %sub3A_15 : i32 to vector<224x225xi32>
    %sub3A_17 = arith.subi %iota3A, %sub3A_16 : vector<224x225xi32>
    %convert_element_type3A = arith.sitofp %sub3A_17 : vector<224x225xi32> to vector<224x225xf32>
    %div3A_18 = arith.constant 2.230000e+02 : f32
    %div3A_19 = vector.broadcast %div3A_18 : f32 to vector<224x225xf32>
    %div3A_20 = arith.divf %convert_element_type3A, %div3A_19 : vector<224x225xf32>
    %convert_element_type3A_21 = arith.sitofp %iota3A_14 : vector<224x225xi32> to vector<224x225xf32>
    %div3A_22 = arith.constant 2.230000e+02 : f32
    %div3A_23 = vector.broadcast %div3A_22 : f32 to vector<224x225xf32>
    %div3A_24 = arith.divf %convert_element_type3A_21, %div3A_23 : vector<224x225xf32>
    %mul3A = arith.constant 6.400000e+01 : f32
    %mul3A_25 = vector.broadcast %mul3A : f32 to vector<224x225xf32>
    %mul3A_26 = arith.mulf %div3A_20, %mul3A_25 : vector<224x225xf32>
    %round3A = math.roundeven %mul3A_26 : vector<224x225xf32>
    %convert_element_type3A_27 = arith.fptosi %round3A : vector<224x225xf32> to vector<224x225xi32>
    %jit3A = arith.constant 0 : i32
    %jit3A_28 = arith.constant 64 : i32
    %max3A = vector.broadcast %jit3A : i32 to vector<224x225xi32>
    %max3A_29 = arith.maxsi %max3A, %convert_element_type3A_27 : vector<224x225xi32>
    %min3A = vector.broadcast %jit3A_28 : i32 to vector<224x225xi32>
    %min3A_30 = arith.minsi %min3A, %max3A_29 : vector<224x225xi32>
    %mul3A_31 = arith.constant 6.400000e+01 : f32
    %mul3A_32 = vector.broadcast %mul3A_31 : f32 to vector<224x225xf32>
    %mul3A_33 = arith.mulf %div3A_24, %mul3A_32 : vector<224x225xf32>
    %round3A_34 = math.roundeven %mul3A_33 : vector<224x225xf32>
    %convert_element_type3A_35 = arith.fptosi %round3A_34 : vector<224x225xf32> to vector<224x225xi32>
    %jit3A_36 = arith.constant 0 : i32
    %jit3A_37 = arith.constant 64 : i32
    %max3A_38 = vector.broadcast %jit3A_36 : i32 to vector<224x225xi32>
    %max3A_39 = arith.maxsi %max3A_38, %convert_element_type3A_35 : vector<224x225xi32>
    %min3A_40 = vector.broadcast %jit3A_37 : i32 to vector<224x225xi32>
    %min3A_41 = arith.minsi %min3A_40, %max3A_39 : vector<224x225xi32>
    %mul3A_42 = arith.constant 6.400000e+01 : f32
    %mul3A_43 = vector.broadcast %mul3A_42 : f32 to vector<224x225xf32>
    %mul3A_44 = arith.mulf %div3A_13, %mul3A_43 : vector<224x225xf32>
    %round3A_45 = math.roundeven %mul3A_44 : vector<224x225xf32>
    %convert_element_type3A_46 = arith.fptosi %round3A_45 : vector<224x225xf32> to vector<224x225xi32>
    %jit3A_47 = arith.constant 0 : i32
    %jit3A_48 = arith.constant 64 : i32
    %max3A_49 = vector.broadcast %jit3A_47 : i32 to vector<224x225xi32>
    %max3A_50 = arith.maxsi %max3A_49, %convert_element_type3A_46 : vector<224x225xi32>
    %min3A_51 = vector.broadcast %jit3A_48 : i32 to vector<224x225xi32>
    %min3A_52 = arith.minsi %min3A_51, %max3A_50 : vector<224x225xi32>
    %eq3A = arith.constant 0 : i32
    %eq3A_53 = vector.broadcast %eq3A : i32 to vector<224x225xi32>
    %eq3A_54 = arith.cmpi eq, %iota3A, %eq3A_53 : vector<224x225xi32>
    %broadcast_in_dim3A = arith.constant 0 : i32
    %broadcast_in_dim3A_55 = vector.broadcast %broadcast_in_dim3A : i32 to vector<224x225xi32>
    %select_n3A = arith.select %eq3A_54, %broadcast_in_dim3A_55, %min3A_30 : vector<224x225xi1>, vector<224x225xi32>
    %select_n3A_56 = arith.select %eq3A_54, %broadcast_in_dim3A_55, %min3A_41 : vector<224x225xi1>, vector<224x225xi32>
    %select_n3A_57 = arith.select %eq3A_54, %broadcast_in_dim3A_55, %min3A_52 : vector<224x225xi1>, vector<224x225xi32>
    %mul3A_58 = arith.constant 4225 : i32
    %mul3A_59 = vector.broadcast %mul3A_58 : i32 to vector<224x225xi32>
    %mul3A_60 = arith.muli %select_n3A, %mul3A_59 : vector<224x225xi32>
    %mul3A_61 = arith.constant 65 : i32
    %mul3A_62 = vector.broadcast %mul3A_61 : i32 to vector<224x225xi32>
    %mul3A_63 = arith.muli %select_n3A_56, %mul3A_62 : vector<224x225xi32>
    %add3A_64 = arith.addi %mul3A_60, %mul3A_63 : vector<224x225xi32>
    %add3A_65 = arith.addi %add3A_64, %select_n3A_57 : vector<224x225xi32>
    %swap3A = arith.constant 0 : index
    %swap3A_66 = arith.constant 0 : index
    %swap3A_67 = vector.load %arg1[%swap3A, %swap3A_66] : memref<224x225xi32, #tpu.memory_space<vmem>>, vector<224x225xi32>
    tpu.vector_store %arg1[%swap3A, %swap3A_66], %add3A_65 {strides = array<i32>} : memref<224x225xi32, #tpu.memory_space<vmem>>, vector<224x225xi32>,
    %mul3A_68 = arith.constant 225 : i32
    %mul3A_69 = vector.broadcast %mul3A_68 : i32 to vector<224x225xi32>
    %mul3A_70 = arith.muli %iota3A_14, %mul3A_69 : vector<224x225xi32>
    %add3A_71 = arith.addi %mul3A_70, %iota3A : vector<224x225xi32>
    %and3A = arith.constant 1023 : i32
    %and3A_72 = vector.broadcast %and3A : i32 to vector<224x225xi32>
    %and3A_73 = arith.andi %add3A_71, %and3A_72 : vector<224x225xi32>
    %add3A_74 = arith.constant 274688 : i32
    %add3A_75 = vector.broadcast %add3A_74 : i32 to vector<224x225xi32>
    %add3A_76 = arith.addi %add3A_75, %and3A_73 : vector<224x225xi32>
    %add3A_77 = arith.constant -1 : i32
    %add3A_78 = vector.broadcast %add3A_77 : i32 to vector<224x225xi32>
    %add3A_79 = arith.addi %select_n3A, %add3A_78 : vector<224x225xi32>
    %add3A_80 = arith.constant -1 : i32
    %add3A_81 = vector.broadcast %add3A_80 : i32 to vector<224x225xi32>
    %add3A_82 = arith.addi %select_n3A_56, %add3A_81 : vector<224x225xi32>
    %add3A_83 = arith.constant -1 : i32
    %add3A_84 = vector.broadcast %add3A_83 : i32 to vector<224x225xi32>
    %add3A_85 = arith.addi %select_n3A_57, %add3A_84 : vector<224x225xi32>
    %ge3A = arith.constant 0 : i32
    %ge3A_86 = vector.broadcast %ge3A : i32 to vector<224x225xi32>
    %ge3A_87 = arith.cmpi sge, %add3A_79, %ge3A_86 : vector<224x225xi32>
    %le3A = arith.constant 64 : i32
    %le3A_88 = vector.broadcast %le3A : i32 to vector<224x225xi32>
    %le3A_89 = arith.cmpi sle, %add3A_79, %le3A_88 : vector<224x225xi32>
    %and3A_90 = arith.andi %ge3A_87, %le3A_89 : vector<224x225xi1>
    %ge3A_91 = arith.constant 0 : i32
    %ge3A_92 = vector.broadcast %ge3A_91 : i32 to vector<224x225xi32>
    %ge3A_93 = arith.cmpi sge, %add3A_82, %ge3A_92 : vector<224x225xi32>
    %and3A_94 = arith.andi %and3A_90, %ge3A_93 : vector<224x225xi1>
    %le3A_95 = arith.constant 64 : i32
    %le3A_96 = vector.broadcast %le3A_95 : i32 to vector<224x225xi32>
    %le3A_97 = arith.cmpi sle, %add3A_82, %le3A_96 : vector<224x225xi32>
    %and3A_98 = arith.andi %and3A_94, %le3A_97 : vector<224x225xi1>
    %ge3A_99 = arith.constant 0 : i32
    %ge3A_100 = vector.broadcast %ge3A_99 : i32 to vector<224x225xi32>
    %ge3A_101 = arith.cmpi sge, %add3A_85, %ge3A_100 : vector<224x225xi32>
    %and3A_102 = arith.andi %and3A_98, %ge3A_101 : vector<224x225xi1>
    %le3A_103 = arith.constant 64 : i32
    %le3A_104 = vector.broadcast %le3A_103 : i32 to vector<224x225xi32>
    %le3A_105 = arith.cmpi sle, %add3A_85, %le3A_104 : vector<224x225xi32>
    %and3A_106 = arith.andi %and3A_102, %le3A_105 : vector<224x225xi1>
    %add3A_107 = arith.constant -4291 : i32
    %add3A_108 = vector.broadcast %add3A_107 : i32 to vector<224x225xi32>
    %add3A_109 = arith.addi %add3A_65, %add3A_108 : vector<224x225xi32>
    %select_n3A_110 = arith.select %and3A_106, %add3A_109, %add3A_76 : vector<224x225xi1>, vector<224x225xi32>
    %swap3A_111 = arith.constant 0 : index
    %swap3A_112 = arith.constant 0 : index
    %swap3A_113 = arith.constant 0 : index
    %swap3A_114 = vector.load %arg2[%swap3A_111, %swap3A_112, %swap3A_113] : memref<27x224x225xi32, #tpu.memory_space<vmem>>, vector<1x224x225xi32>
    %swap3A_115 = vector.shape_cast %swap3A_114 : vector<1x224x225xi32> to vector<224x225xi32>
    %swap3A_116 = vector.shape_cast %select_n3A_110 : vector<224x225xi32> to vector<1x224x225xi32>
    tpu.vector_store %arg2[%swap3A_111, %swap3A_112, %swap3A_113], %swap3A_116 {strides = array<i32>} : memref<27x224x225xi32, #tpu.memory_space<vmem>>, vector<1x224x225xi32>,
    %add3A_117 = arith.constant -1 : i32
    %add3A_118 = vector.broadcast %add3A_117 : i32 to vector<224x225xi32>
    %add3A_119 = arith.addi %select_n3A, %add3A_118 : vector<224x225xi32>
    %add3A_120 = arith.constant -1 : i32
    %add3A_121 = vector.broadcast %add3A_120 : i32 to vector<224x225xi32>
    %add3A_122 = arith.addi %select_n3A_56, %add3A_121 : vector<224x225xi32>
    %add3A_123 = arith.constant 0 : i32
    %add3A_124 = vector.broadcast %add3A_123 : i32 to vector<224x225xi32>
    %add3A_125 = arith.addi %select_n3A_57, %add3A_124 : vector<224x225xi32>
    %ge3A_126 = arith.constant 0 : i32
    %ge3A_127 = vector.broadcast %ge3A_126 : i32 to vector<224x225xi32>
    %ge3A_128 = arith.cmpi sge, %add3A_119, %ge3A_127 : vector<224x225xi32>
    %le3A_129 = arith.constant 64 : i32
    %le3A_130 = vector.broadcast %le3A_129 : i32 to vector<224x225xi32>
    %le3A_131 = arith.cmpi sle, %add3A_119, %le3A_130 : vector<224x225xi32>
    %and3A_132 = arith.andi %ge3A_128, %le3A_131 : vector<224x225xi1>
    %ge3A_133 = arith.constant 0 : i32
    %ge3A_134 = vector.broadcast %ge3A_133 : i32 to vector<224x225xi32>
    %ge3A_135 = arith.cmpi sge, %add3A_122, %ge3A_134 : vector<224x225xi32>
    %and3A_136 = arith.andi %and3A_132, %ge3A_135 : vector<224x225xi1>
    %le3A_137 = arith.constant 64 : i32
    %le3A_138 = vector.broadcast %le3A_137 : i32 to vector<224x225xi32>
    %le3A_139 = arith.cmpi sle, %add3A_122, %le3A_138 : vector<224x225xi32>
    %and3A_140 = arith.andi %and3A_136, %le3A_139 : vector<224x225xi1>
    %ge3A_141 = arith.constant 0 : i32
    %ge3A_142 = vector.broadcast %ge3A_141 : i32 to vector<224x225xi32>
    %ge3A_143 = arith.cmpi sge, %add3A_125, %ge3A_142 : vector<224x225xi32>
    %and3A_144 = arith.andi %and3A_140, %ge3A_143 : vector<224x225xi1>
    %le3A_145 = arith.constant 64 : i32
    %le3A_146 = vector.broadcast %le3A_145 : i32 to vector<224x225xi32>
    %le3A_147 = arith.cmpi sle, %add3A_125, %le3A_146 : vector<224x225xi32>
    %and3A_148 = arith.andi %and3A_144, %le3A_147 : vector<224x225xi1>
    %add3A_149 = arith.constant -4290 : i32
    %add3A_150 = vector.broadcast %add3A_149 : i32 to vector<224x225xi32>
    %add3A_151 = arith.addi %add3A_65, %add3A_150 : vector<224x225xi32>
    %select_n3A_152 = arith.select %and3A_148, %add3A_151, %add3A_76 : vector<224x225xi1>, vector<224x225xi32>
    %swap3A_153 = arith.constant 1 : index
    %swap3A_154 = arith.constant 0 : index
    %swap3A_155 = arith.constant 0 : index
    %swap3A_156 = vector.load %arg2[%swap3A_153, %swap3A_154, %swap3A_155] : memref<27x224x225xi32, #tpu.memory_space<vmem>>, vector<1x224x225xi32>
    %swap3A_157 = vector.shape_cast %swap3A_156 : vector<1x224x225xi32> to vector<224x225xi32>
    %swap3A_158 = vector.shape_cast %select_n3A_152 : vector<224x225xi32> to vector<1x224x225xi32>
    tpu.vector_store %arg2[%swap3A_153, %swap3A_154, %swap3A_155], %swap3A_158 {strides = array<i32>} : memref<27x224x225xi32, #tpu.memory_space<vmem>>, vector<1x224x225xi32>,
    %add3A_159 = arith.constant -1 : i32
    %add3A_160 = vector.broadcast %add3A_159 : i32 to vector<224x225xi32>
    %add3A_161 = arith.addi %select_n3A, %add3A_160 : vector<224x225xi32>
    %add3A_162 = arith.constant -1 : i32
    %add3A_163 = vector.broadcast %add3A_162 : i32 to vector<224x225xi32>
    %add3A_164 = arith.addi %select_n3A_56, %add3A_163 : vector<224x225xi32>
    %add3A_165 = arith.constant 1 : i32
    %add3A_166 = vector.broadcast %add3A_165 : i32 to vector<224x225xi32>
    %add3A_167 = arith.addi %select_n3A_57, %add3A_166 : vector<224x225xi32>
    %ge3A_168 = arith.constant 0 : i32
    %ge3A_169 = vector.broadcast %ge3A_168 : i32 to vector<224x225xi32>
    %ge3A_170 = arith.cmpi sge, %add3A_161, %ge3A_169 : vector<224x225xi32>
    %le3A_171 = arith.constant 64 : i32
    %le3A_172 = vector.broadcast %le3A_171 : i32 to vector<224x225xi32>
    %le3A_173 = arith.cmpi sle, %add3A_161, %le3A_172 : vector<224x225xi32>
    %and3A_174 = arith.andi %ge3A_170, %le3A_173 : vector<224x225xi1>
    %ge3A_175 = arith.constant 0 : i32
    %ge3A_176 = vector.broadcast %ge3A_175 : i32 to vector<224x225xi32>
    %ge3A_177 = arith.cmpi sge, %add3A_164, %ge3A_176 : vector<224x225xi32>
    %and3A_178 = arith.andi %and3A_174, %ge3A_177 : vector<224x225xi1>
    %le3A_179 = arith.constant 64 : i32
    %le3A_180 = vector.broadcast %le3A_179 : i32 to vector<224x225xi32>
    %le3A_181 = arith.cmpi sle, %add3A_164, %le3A_180 : vector<224x225xi32>
    %and3A_182 = arith.andi %and3A_178, %le3A_181 : vector<224x225xi1>
    %ge3A_183 = arith.constant 0 : i32
    %ge3A_184 = vector.broadcast %ge3A_183 : i32 to vector<224x225xi32>
    %ge3A_185 = arith.cmpi sge, %add3A_167, %ge3A_184 : vector<224x225xi32>
    %and3A_186 = arith.andi %and3A_182, %ge3A_185 : vector<224x225xi1>
    %le3A_187 = arith.constant 64 : i32
    %le3A_188 = vector.broadcast %le3A_187 : i32 to vector<224x225xi32>
    %le3A_189 = arith.cmpi sle, %add3A_167, %le3A_188 : vector<224x225xi32>
    %and3A_190 = arith.andi %and3A_186, %le3A_189 : vector<224x225xi1>
    %add3A_191 = arith.constant -4289 : i32
    %add3A_192 = vector.broadcast %add3A_191 : i32 to vector<224x225xi32>
    %add3A_193 = arith.addi %add3A_65, %add3A_192 : vector<224x225xi32>
    %select_n3A_194 = arith.select %and3A_190, %add3A_193, %add3A_76 : vector<224x225xi1>, vector<224x225xi32>
    %swap3A_195 = arith.constant 2 : index
    %swap3A_196 = arith.constant 0 : index
    %swap3A_197 = arith.constant 0 : index
    %swap3A_198 = vector.load %arg2[%swap3A_195, %swap3A_196, %swap3A_197] : memref<27x224x225xi32, #tpu.memory_space<vmem>>, vector<1x224x225xi32>
    %swap3A_199 = vector.shape_cast %swap3A_198 : vector<1x224x225xi32> to vector<224x225xi32>
    %swap3A_200 = vector.shape_cast %select_n3A_194 : vector<224x225xi32> to vector<1x224x225xi32>
    tpu.vector_store %arg2[%swap3A_195, %swap3A_196, %swap3A_197], %swap3A_200 {strides = array<i32>} : memref<27x224x225xi32, #tpu.memory_space<vmem>>, vector<1x224x225xi32>,
    %add3A_201 = arith.constant -1 : i32
    %add3A_202 = vector.broadcast %add3A_201 : i32 to vector<224x225xi32>
    %add3A_203 = arith.addi %select_n3A, %add3A_202 : vector<224x225xi32>
    %add3A_204 = arith.constant 0 : i32
    %add3A_205 = vector.broadcast %add3A_204 : i32 to vector<224x225xi32>
    %add3A_206 = arith.addi %select_n3A_56, %add3A_205 : vector<224x225xi32>
    %add3A_207 = arith.constant -1 : i32
    %add3A_208 = vector.broadcast %add3A_207 : i32 to vector<224x225xi32>
    %add3A_209 = arith.addi %select_n3A_57, %add3A_208 : vector<224x225xi32>
    %ge3A_210 = arith.constant 0 : i32
    %ge3A_211 = vector.broadcast %ge3A_210 : i32 to vector<224x225xi32>
    %ge3A_212 = arith.cmpi sge, %add3A_203, %ge3A_211 : vector<224x225xi32>
    %le3A_213 = arith.constant 64 : i32
    %le3A_214 = vector.broadcast %le3A_213 : i32 to vector<224x225xi32>
    %le3A_215 = arith.cmpi sle, %add3A_203, %le3A_214 : vector<224x225xi32>
    %and3A_216 = arith.andi %ge3A_212, %le3A_215 : vector<224x225xi1>
    %ge3A_217 = arith.constant 0 : i32
    %ge3A_218 = vector.broadcast %ge3A_217 : i32 to vector<224x225xi32>
    %ge3A_219 = arith.cmpi sge, %add3A_206, %ge3A_218 : vector<224x225xi32>
    %and3A_220 = arith.andi %and3A_216, %ge3A_219 : vector<224x225xi1>
    %le3A_221 = arith.constant 64 : i32
    %le3A_222 = vector.broadcast %le3A_221 : i32 to vector<224x225xi32>
    %le3A_223 = arith.cmpi sle, %add3A_206, %le3A_222 : vector<224x225xi32>
    %and3A_224 = arith.andi %and3A_220, %le3A_223 : vector<224x225xi1>
    %ge3A_225 = arith.constant 0 : i32
    %ge3A_226 = vector.broadcast %ge3A_225 : i32 to vector<224x225xi32>
    %ge3A_227 = arith.cmpi sge, %add3A_209, %ge3A_226 : vector<224x225xi32>
    %and3A_228 = arith.andi %and3A_224, %ge3A_227 : vector<224x225xi1>
    %le3A_229 = arith.constant 64 : i32
    %le3A_230 = vector.broadcast %le3A_229 : i32 to vector<224x225xi32>
    %le3A_231 = arith.cmpi sle, %add3A_209, %le3A_230 : vector<224x225xi32>
    %and3A_232 = arith.andi %and3A_228, %le3A_231 : vector<224x225xi1>
    %add3A_233 = arith.constant -4226 : i32
    %add3A_234 = vector.broadcast %add3A_233 : i32 to vector<224x225xi32>
    %add3A_235 = arith.addi %add3A_65, %add3A_234 : vector<224x225xi32>
    %select_n3A_236 = arith.select %and3A_232, %add3A_235, %add3A_76 : vector<224x225xi1>, vector<224x225xi32>
    %swap3A_237 = arith.constant 3 : index
    %swap3A_238 = arith.constant 0 : index
    %swap3A_239 = arith.constant 0 : index
    %swap3A_240 = vector.load %arg2[%swap3A_237, %swap3A_238, %swap3A_239] : memref<27x224x225xi32, #tpu.memory_space<vmem>>, vector<1x224x225xi32>
    %swap3A_241 = vector.shape_cast %swap3A_240 : vector<1x224x225xi32> to vector<224x225xi32>
    %swap3A_242 = vector.shape_cast %select_n3A_236 : vector<224x225xi32> to vector<1x224x225xi32>
    tpu.vector_store %arg2[%swap3A_237, %swap3A_238, %swap3A_239], %swap3A_242 {strides = array<i32>} : memref<27x224x225xi32, #tpu.memory_space<vmem>>, vector<1x224x225xi32>,
    %add3A_243 = arith.constant -1 : i32
    %add3A_244 = vector.broadcast %add3A_243 : i32 to vector<224x225xi32>
    %add3A_245 = arith.addi %select_n3A, %add3A_244 : vector<224x225xi32>
    %add3A_246 = arith.constant 0 : i32
    %add3A_247 = vector.broadcast %add3A_246 : i32 to vector<224x225xi32>
    %add3A_248 = arith.addi %select_n3A_56, %add3A_247 : vector<224x225xi32>
    %add3A_249 = arith.constant 0 : i32
    %add3A_250 = vector.broadcast %add3A_249 : i32 to vector<224x225xi32>
    %add3A_251 = arith.addi %select_n3A_57, %add3A_250 : vector<224x225xi32>
    %ge3A_252 = arith.constant 0 : i32
    %ge3A_253 = vector.broadcast %ge3A_252 : i32 to vector<224x225xi32>
    %ge3A_254 = arith.cmpi sge, %add3A_245, %ge3A_253 : vector<224x225xi32>
    %le3A_255 = arith.constant 64 : i32
    %le3A_256 = vector.broadcast %le3A_255 : i32 to vector<224x225xi32>
    %le3A_257 = arith.cmpi sle, %add3A_245, %le3A_256 : vector<224x225xi32>
    %and3A_258 = arith.andi %ge3A_254, %le3A_257 : vector<224x225xi1>
    %ge3A_259 = arith.constant 0 : i32
    %ge3A_260 = vector.broadcast %ge3A_259 : i32 to vector<224x225xi32>
    %ge3A_261 = arith.cmpi sge, %add3A_248, %ge3A_260 : vector<224x225xi32>
    %and3A_262 = arith.andi %and3A_258, %ge3A_261 : vector<224x225xi1>
    %le3A_263 = arith.constant 64 : i32
    %le3A_264 = vector.broadcast %le3A_263 : i32 to vector<224x225xi32>
    %le3A_265 = arith.cmpi sle, %add3A_248, %le3A_264 : vector<224x225xi32>
    %and3A_266 = arith.andi %and3A_262, %le3A_265 : vector<224x225xi1>
    %ge3A_267 = arith.constant 0 : i32
    %ge3A_268 = vector.broadcast %ge3A_267 : i32 to vector<224x225xi32>
    %ge3A_269 = arith.cmpi sge, %add3A_251, %ge3A_268 : vector<224x225xi32>
    %and3A_270 = arith.andi %and3A_266, %ge3A_269 : vector<224x225xi1>
    %le3A_271 = arith.constant 64 : i32
    %le3A_272 = vector.broadcast %le3A_271 : i32 to vector<224x225xi32>
    %le3A_273 = arith.cmpi sle, %add3A_251, %le3A_272 : vector<224x225xi32>
    %and3A_274 = arith.andi %and3A_270, %le3A_273 : vector<224x225xi1>
    %add3A_275 = arith.constant -4225 : i32
    %add3A_276 = vector.broadcast %add3A_275 : i32 to vector<224x225xi32>
    %add3A_277 = arith.addi %add3A_65, %add3A_276 : vector<224x225xi32>
    %select_n3A_278 = arith.select %and3A_274, %add3A_277, %add3A_76 : vector<224x225xi1>, vector<224x225xi32>
    %swap3A_279 = arith.constant 4 : index
    %swap3A_280 = arith.constant 0 : index
    %swap3A_281 = arith.constant 0 : index
    %swap3A_282 = vector.load %arg2[%swap3A_279, %swap3A_280, %swap3A_281] : memref<27x224x225xi32, #tpu.memory_space<vmem>>, vector<1x224x225xi32>
    %swap3A_283 = vector.shape_cast %swap3A_282 : vector<1x224x225xi32> to vector<224x225xi32>
    %swap3A_284 = vector.shape_cast %select_n3A_278 : vector<224x225xi32> to vector<1x224x225xi32>
    tpu.vector_store %arg2[%swap3A_279, %swap3A_280, %swap3A_281], %swap3A_284 {strides = array<i32>} : memref<27x224x225xi32, #tpu.memory_space<vmem>>, vector<1x224x225xi32>,
    %add3A_285 = arith.constant -1 : i32
    %add3A_286 = vector.broadcast %add3A_285 : i32 to vector<224x225xi32>
    %add3A_287 = arith.addi %select_n3A, %add3A_286 : vector<224x225xi32>
    %add3A_288 = arith.constant 0 : i32
    %add3A_289 = vector.broadcast %add3A_288 : i32 to vector<224x225xi32>
    %add3A_290 = arith.addi %select_n3A_56, %add3A_289 : vector<224x225xi32>
    %add3A_291 = arith.constant 1 : i32
    %add3A_292 = vector.broadcast %add3A_291 : i32 to vector<224x225xi32>
    %add3A_293 = arith.addi %select_n3A_57, %add3A_292 : vector<224x225xi32>
    %ge3A_294 = arith.constant 0 : i32
    %ge3A_295 = vector.broadcast %ge3A_294 : i32 to vector<224x225xi32>
    %ge3A_296 = arith.cmpi sge, %add3A_287, %ge3A_295 : vector<224x225xi32>
    %le3A_297 = arith.constant 64 : i32
    %le3A_298 = vector.broadcast %le3A_297 : i32 to vector<224x225xi32>
    %le3A_299 = arith.cmpi sle, %add3A_287, %le3A_298 : vector<224x225xi32>
    %and3A_300 = arith.andi %ge3A_296, %le3A_299 : vector<224x225xi1>
    %ge3A_301 = arith.constant 0 : i32
    %ge3A_302 = vector.broadcast %ge3A_301 : i32 to vector<224x225xi32>
    %ge3A_303 = arith.cmpi sge, %add3A_290, %ge3A_302 : vector<224x225xi32>
    %and3A_304 = arith.andi %and3A_300, %ge3A_303 : vector<224x225xi1>
    %le3A_305 = arith.constant 64 : i32
    %le3A_306 = vector.broadcast %le3A_305 : i32 to vector<224x225xi32>
    %le3A_307 = arith.cmpi sle, %add3A_290, %le3A_306 : vector<224x225xi32>
    %and3A_308 = arith.andi %and3A_304, %le3A_307 : vector<224x225xi1>
    %ge3A_309 = arith.constant 0 : i32
    %ge3A_310 = vector.broadcast %ge3A_309 : i32 to vector<224x225xi32>
    %ge3A_311 = arith.cmpi sge, %add3A_293, %ge3A_310 : vector<224x225xi32>
    %and3A_312 = arith.andi %and3A_308, %ge3A_311 : vector<224x225xi1>
    %le3A_313 = arith.constant 64 : i32
    %le3A_314 = vector.broadcast %le3A_313 : i32 to vector<224x225xi32>
    %le3A_315 = arith.cmpi sle, %add3A_293, %le3A_314 : vector<224x225xi32>
    %and3A_316 = arith.andi %and3A_312, %le3A_315 : vector<224x225xi1>
    %add3A_317 = arith.constant -4224 : i32
    %add3A_318 = vector.broadcast %add3A_317 : i32 to vector<224x225xi32>
    %add3A_319 = arith.addi %add3A_65, %add3A_318 : vector<224x225xi32>
    %select_n3A_320 = arith.select %and3A_316, %add3A_319, %add3A_76 : vector<224x225xi1>, vector<224x225xi32>
    %swap3A_321 = arith.constant 5 : index
    %swap3A_322 = arith.constant 0 : index
    %swap3A_323 = arith.constant 0 : index
    %swap3A_324 = vector.load %arg2[%swap3A_321, %swap3A_322, %swap3A_323] : memref<27x224x225xi32, #tpu.memory_space<vmem>>, vector<1x224x225xi32>
    %swap3A_325 = vector.shape_cast %swap3A_324 : vector<1x224x225xi32> to vector<224x225xi32>
    %swap3A_326 = vector.shape_cast %select_n3A_320 : vector<224x225xi32> to vector<1x224x225xi32>
    tpu.vector_store %arg2[%swap3A_321, %swap3A_322, %swap3A_323], %swap3A_326 {strides = array<i32>} : memref<27x224x225xi32, #tpu.memory_space<vmem>>, vector<1x224x225xi32>,
    %add3A_327 = arith.constant -1 : i32
    %add3A_328 = vector.broadcast %add3A_327 : i32 to vector<224x225xi32>
    %add3A_329 = arith.addi %select_n3A, %add3A_328 : vector<224x225xi32>
    %add3A_330 = arith.constant 1 : i32
    %add3A_331 = vector.broadcast %add3A_330 : i32 to vector<224x225xi32>
    %add3A_332 = arith.addi %select_n3A_56, %add3A_331 : vector<224x225xi32>
    %add3A_333 = arith.constant -1 : i32
    %add3A_334 = vector.broadcast %add3A_333 : i32 to vector<224x225xi32>
    %add3A_335 = arith.addi %select_n3A_57, %add3A_334 : vector<224x225xi32>
    %ge3A_336 = arith.constant 0 : i32
    %ge3A_337 = vector.broadcast %ge3A_336 : i32 to vector<224x225xi32>
    %ge3A_338 = arith.cmpi sge, %add3A_329, %ge3A_337 : vector<224x225xi32>
    %le3A_339 = arith.constant 64 : i32
    %le3A_340 = vector.broadcast %le3A_339 : i32 to vector<224x225xi32>
    %le3A_341 = arith.cmpi sle, %add3A_329, %le3A_340 : vector<224x225xi32>
    %and3A_342 = arith.andi %ge3A_338, %le3A_341 : vector<224x225xi1>
    %ge3A_343 = arith.constant 0 : i32
    %ge3A_344 = vector.broadcast %ge3A_343 : i32 to vector<224x225xi32>
    %ge3A_345 = arith.cmpi sge, %add3A_332, %ge3A_344 : vector<224x225xi32>
    %and3A_346 = arith.andi %and3A_342, %ge3A_345 : vector<224x225xi1>
    %le3A_347 = arith.constant 64 : i32
    %le3A_348 = vector.broadcast %le3A_347 : i32 to vector<224x225xi32>
    %le3A_349 = arith.cmpi sle, %add3A_332, %le3A_348 : vector<224x225xi32>
    %and3A_350 = arith.andi %and3A_346, %le3A_349 : vector<224x225xi1>
    %ge3A_351 = arith.constant 0 : i32
    %ge3A_352 = vector.broadcast %ge3A_351 : i32 to vector<224x225xi32>
    %ge3A_353 = arith.cmpi sge, %add3A_335, %ge3A_352 : vector<224x225xi32>
    %and3A_354 = arith.andi %and3A_350, %ge3A_353 : vector<224x225xi1>
    %le3A_355 = arith.constant 64 : i32
    %le3A_356 = vector.broadcast %le3A_355 : i32 to vector<224x225xi32>
    %le3A_357 = arith.cmpi sle, %add3A_335, %le3A_356 : vector<224x225xi32>
    %and3A_358 = arith.andi %and3A_354, %le3A_357 : vector<224x225xi1>
    %add3A_359 = arith.constant -4161 : i32
    %add3A_360 = vector.broadcast %add3A_359 : i32 to vector<224x225xi32>
    %add3A_361 = arith.addi %add3A_65, %add3A_360 : vector<224x225xi32>
    %select_n3A_362 = arith.select %and3A_358, %add3A_361, %add3A_76 : vector<224x225xi1>, vector<224x225xi32>
    %swap3A_363 = arith.constant 6 : index
    %swap3A_364 = arith.constant 0 : index
    %swap3A_365 = arith.constant 0 : index
    %swap3A_366 = vector.load %arg2[%swap3A_363, %swap3A_364, %swap3A_365] : memref<27x224x225xi32, #tpu.memory_space<vmem>>, vector<1x224x225xi32>
    %swap3A_367 = vector.shape_cast %swap3A_366 : vector<1x224x225xi32> to vector<224x225xi32>
    %swap3A_368 = vector.shape_cast %select_n3A_362 : vector<224x225xi32> to vector<1x224x225xi32>
    tpu.vector_store %arg2[%swap3A_363, %swap3A_364, %swap3A_365], %swap3A_368 {strides = array<i32>} : memref<27x224x225xi32, #tpu.memory_space<vmem>>, vector<1x224x225xi32>,
    %add3A_369 = arith.constant -1 : i32
    %add3A_370 = vector.broadcast %add3A_369 : i32 to vector<224x225xi32>
    %add3A_371 = arith.addi %select_n3A, %add3A_370 : vector<224x225xi32>
    %add3A_372 = arith.constant 1 : i32
    %add3A_373 = vector.broadcast %add3A_372 : i32 to vector<224x225xi32>
    %add3A_374 = arith.addi %select_n3A_56, %add3A_373 : vector<224x225xi32>
    %add3A_375 = arith.constant 0 : i32
    %add3A_376 = vector.broadcast %add3A_375 : i32 to vector<224x225xi32>
    %add3A_377 = arith.addi %select_n3A_57, %add3A_376 : vector<224x225xi32>
    %ge3A_378 = arith.constant 0 : i32
    %ge3A_379 = vector.broadcast %ge3A_378 : i32 to vector<224x225xi32>
    %ge3A_380 = arith.cmpi sge, %add3A_371, %ge3A_379 : vector<224x225xi32>
    %le3A_381 = arith.constant 64 : i32
    %le3A_382 = vector.broadcast %le3A_381 : i32 to vector<224x225xi32>
    %le3A_383 = arith.cmpi sle, %add3A_371, %le3A_382 : vector<224x225xi32>
    %and3A_384 = arith.andi %ge3A_380, %le3A_383 : vector<224x225xi1>
    %ge3A_385 = arith.constant 0 : i32
    %ge3A_386 = vector.broadcast %ge3A_385 : i32 to vector<224x225xi32>
    %ge3A_387 = arith.cmpi sge, %add3A_374, %ge3A_386 : vector<224x225xi32>
    %and3A_388 = arith.andi %and3A_384, %ge3A_387 : vector<224x225xi1>
    %le3A_389 = arith.constant 64 : i32
    %le3A_390 = vector.broadcast %le3A_389 : i32 to vector<224x225xi32>
    %le3A_391 = arith.cmpi sle, %add3A_374, %le3A_390 : vector<224x225xi32>
    %and3A_392 = arith.andi %and3A_388, %le3A_391 : vector<224x225xi1>
    %ge3A_393 = arith.constant 0 : i32
    %ge3A_394 = vector.broadcast %ge3A_393 : i32 to vector<224x225xi32>
    %ge3A_395 = arith.cmpi sge, %add3A_377, %ge3A_394 : vector<224x225xi32>
    %and3A_396 = arith.andi %and3A_392, %ge3A_395 : vector<224x225xi1>
    %le3A_397 = arith.constant 64 : i32
    %le3A_398 = vector.broadcast %le3A_397 : i32 to vector<224x225xi32>
    %le3A_399 = arith.cmpi sle, %add3A_377, %le3A_398 : vector<224x225xi32>
    %and3A_400 = arith.andi %and3A_396, %le3A_399 : vector<224x225xi1>
    %add3A_401 = arith.constant -4160 : i32
    %add3A_402 = vector.broadcast %add3A_401 : i32 to vector<224x225xi32>
    %add3A_403 = arith.addi %add3A_65, %add3A_402 : vector<224x225xi32>
    %select_n3A_404 = arith.select %and3A_400, %add3A_403, %add3A_76 : vector<224x225xi1>, vector<224x225xi32>
    %swap3A_405 = arith.constant 7 : index
    %swap3A_406 = arith.constant 0 : index
    %swap3A_407 = arith.constant 0 : index
    %swap3A_408 = vector.load %arg2[%swap3A_405, %swap3A_406, %swap3A_407] : memref<27x224x225xi32, #tpu.memory_space<vmem>>, vector<1x224x225xi32>
    %swap3A_409 = vector.shape_cast %swap3A_408 : vector<1x224x225xi32> to vector<224x225xi32>
    %swap3A_410 = vector.shape_cast %select_n3A_404 : vector<224x225xi32> to vector<1x224x225xi32>
    tpu.vector_store %arg2[%swap3A_405, %swap3A_406, %swap3A_407], %swap3A_410 {strides = array<i32>} : memref<27x224x225xi32, #tpu.memory_space<vmem>>, vector<1x224x225xi32>,
    %add3A_411 = arith.constant -1 : i32
    %add3A_412 = vector.broadcast %add3A_411 : i32 to vector<224x225xi32>
    %add3A_413 = arith.addi %select_n3A, %add3A_412 : vector<224x225xi32>
    %add3A_414 = arith.constant 1 : i32
    %add3A_415 = vector.broadcast %add3A_414 : i32 to vector<224x225xi32>
    %add3A_416 = arith.addi %select_n3A_56, %add3A_415 : vector<224x225xi32>
    %add3A_417 = arith.constant 1 : i32
    %add3A_418 = vector.broadcast %add3A_417 : i32 to vector<224x225xi32>
    %add3A_419 = arith.addi %select_n3A_57, %add3A_418 : vector<224x225xi32>
    %ge3A_420 = arith.constant 0 : i32
    %ge3A_421 = vector.broadcast %ge3A_420 : i32 to vector<224x225xi32>
    %ge3A_422 = arith.cmpi sge, %add3A_413, %ge3A_421 : vector<224x225xi32>
    %le3A_423 = arith.constant 64 : i32
    %le3A_424 = vector.broadcast %le3A_423 : i32 to vector<224x225xi32>
    %le3A_425 = arith.cmpi sle, %add3A_413, %le3A_424 : vector<224x225xi32>
    %and3A_426 = arith.andi %ge3A_422, %le3A_425 : vector<224x225xi1>
    %ge3A_427 = arith.constant 0 : i32
    %ge3A_428 = vector.broadcast %ge3A_427 : i32 to vector<224x225xi32>
    %ge3A_429 = arith.cmpi sge, %add3A_416, %ge3A_428 : vector<224x225xi32>
    %and3A_430 = arith.andi %and3A_426, %ge3A_429 : vector<224x225xi1>
    %le3A_431 = arith.constant 64 : i32
    %le3A_432 = vector.broadcast %le3A_431 : i32 to vector<224x225xi32>
    %le3A_433 = arith.cmpi sle, %add3A_416, %le3A_432 : vector<224x225xi32>
    %and3A_434 = arith.andi %and3A_430, %le3A_433 : vector<224x225xi1>
    %ge3A_435 = arith.constant 0 : i32
    %ge3A_436 = vector.broadcast %ge3A_435 : i32 to vector<224x225xi32>
    %ge3A_437 = arith.cmpi sge, %add3A_419, %ge3A_436 : vector<224x225xi32>
    %and3A_438 = arith.andi %and3A_434, %ge3A_437 : vector<224x225xi1>
    %le3A_439 = arith.constant 64 : i32
    %le3A_440 = vector.broadcast %le3A_439 : i32 to vector<224x225xi32>
    %le3A_441 = arith.cmpi sle, %add3A_419, %le3A_440 : vector<224x225xi32>
    %and3A_442 = arith.andi %and3A_438, %le3A_441 : vector<224x225xi1>
    %add3A_443 = arith.constant -4159 : i32
    %add3A_444 = vector.broadcast %add3A_443 : i32 to vector<224x225xi32>
    %add3A_445 = arith.addi %add3A_65, %add3A_444 : vector<224x225xi32>
    %select_n3A_446 = arith.select %and3A_442, %add3A_445, %add3A_76 : vector<224x225xi1>, vector<224x225xi32>
    %swap3A_447 = arith.constant 8 : index
    %swap3A_448 = arith.constant 0 : index
    %swap3A_449 = arith.constant 0 : index
    %swap3A_450 = vector.load %arg2[%swap3A_447, %swap3A_448, %swap3A_449] : memref<27x224x225xi32, #tpu.memory_space<vmem>>, vector<1x224x225xi32>
    %swap3A_451 = vector.shape_cast %swap3A_450 : vector<1x224x225xi32> to vector<224x225xi32>
    %swap3A_452 = vector.shape_cast %select_n3A_446 : vector<224x225xi32> to vector<1x224x225xi32>
    tpu.vector_store %arg2[%swap3A_447, %swap3A_448, %swap3A_449], %swap3A_452 {strides = array<i32>} : memref<27x224x225xi32, #tpu.memory_space<vmem>>, vector<1x224x225xi32>,
    %add3A_453 = arith.constant 0 : i32
    %add3A_454 = vector.broadcast %add3A_453 : i32 to vector<224x225xi32>
    %add3A_455 = arith.addi %select_n3A, %add3A_454 : vector<224x225xi32>
    %add3A_456 = arith.constant -1 : i32
    %add3A_457 = vector.broadcast %add3A_456 : i32 to vector<224x225xi32>
    %add3A_458 = arith.addi %select_n3A_56, %add3A_457 : vector<224x225xi32>
    %add3A_459 = arith.constant -1 : i32
    %add3A_460 = vector.broadcast %add3A_459 : i32 to vector<224x225xi32>
    %add3A_461 = arith.addi %select_n3A_57, %add3A_460 : vector<224x225xi32>
    %ge3A_462 = arith.constant 0 : i32
    %ge3A_463 = vector.broadcast %ge3A_462 : i32 to vector<224x225xi32>
    %ge3A_464 = arith.cmpi sge, %add3A_455, %ge3A_463 : vector<224x225xi32>
    %le3A_465 = arith.constant 64 : i32
    %le3A_466 = vector.broadcast %le3A_465 : i32 to vector<224x225xi32>
    %le3A_467 = arith.cmpi sle, %add3A_455, %le3A_466 : vector<224x225xi32>
    %and3A_468 = arith.andi %ge3A_464, %le3A_467 : vector<224x225xi1>
    %ge3A_469 = arith.constant 0 : i32
    %ge3A_470 = vector.broadcast %ge3A_469 : i32 to vector<224x225xi32>
    %ge3A_471 = arith.cmpi sge, %add3A_458, %ge3A_470 : vector<224x225xi32>
    %and3A_472 = arith.andi %and3A_468, %ge3A_471 : vector<224x225xi1>
    %le3A_473 = arith.constant 64 : i32
    %le3A_474 = vector.broadcast %le3A_473 : i32 to vector<224x225xi32>
    %le3A_475 = arith.cmpi sle, %add3A_458, %le3A_474 : vector<224x225xi32>
    %and3A_476 = arith.andi %and3A_472, %le3A_475 : vector<224x225xi1>
    %ge3A_477 = arith.constant 0 : i32
    %ge3A_478 = vector.broadcast %ge3A_477 : i32 to vector<224x225xi32>
    %ge3A_479 = arith.cmpi sge, %add3A_461, %ge3A_478 : vector<224x225xi32>
    %and3A_480 = arith.andi %and3A_476, %ge3A_479 : vector<224x225xi1>
    %le3A_481 = arith.constant 64 : i32
    %le3A_482 = vector.broadcast %le3A_481 : i32 to vector<224x225xi32>
    %le3A_483 = arith.cmpi sle, %add3A_461, %le3A_482 : vector<224x225xi32>
    %and3A_484 = arith.andi %and3A_480, %le3A_483 : vector<224x225xi1>
    %add3A_485 = arith.constant -66 : i32
    %add3A_486 = vector.broadcast %add3A_485 : i32 to vector<224x225xi32>
    %add3A_487 = arith.addi %add3A_65, %add3A_486 : vector<224x225xi32>
    %select_n3A_488 = arith.select %and3A_484, %add3A_487, %add3A_76 : vector<224x225xi1>, vector<224x225xi32>
    %swap3A_489 = arith.constant 9 : index
    %swap3A_490 = arith.constant 0 : index
    %swap3A_491 = arith.constant 0 : index
    %swap3A_492 = vector.load %arg2[%swap3A_489, %swap3A_490, %swap3A_491] : memref<27x224x225xi32, #tpu.memory_space<vmem>>, vector<1x224x225xi32>
    %swap3A_493 = vector.shape_cast %swap3A_492 : vector<1x224x225xi32> to vector<224x225xi32>
    %swap3A_494 = vector.shape_cast %select_n3A_488 : vector<224x225xi32> to vector<1x224x225xi32>
    tpu.vector_store %arg2[%swap3A_489, %swap3A_490, %swap3A_491], %swap3A_494 {strides = array<i32>} : memref<27x224x225xi32, #tpu.memory_space<vmem>>, vector<1x224x225xi32>,
    %add3A_495 = arith.constant 0 : i32
    %add3A_496 = vector.broadcast %add3A_495 : i32 to vector<224x225xi32>
    %add3A_497 = arith.addi %select_n3A, %add3A_496 : vector<224x225xi32>
    %add3A_498 = arith.constant -1 : i32
    %add3A_499 = vector.broadcast %add3A_498 : i32 to vector<224x225xi32>
    %add3A_500 = arith.addi %select_n3A_56, %add3A_499 : vector<224x225xi32>
    %add3A_501 = arith.constant 0 : i32
    %add3A_502 = vector.broadcast %add3A_501 : i32 to vector<224x225xi32>
    %add3A_503 = arith.addi %select_n3A_57, %add3A_502 : vector<224x225xi32>
    %ge3A_504 = arith.constant 0 : i32
    %ge3A_505 = vector.broadcast %ge3A_504 : i32 to vector<224x225xi32>
    %ge3A_506 = arith.cmpi sge, %add3A_497, %ge3A_505 : vector<224x225xi32>
    %le3A_507 = arith.constant 64 : i32
    %le3A_508 = vector.broadcast %le3A_507 : i32 to vector<224x225xi32>
    %le3A_509 = arith.cmpi sle, %add3A_497, %le3A_508 : vector<224x225xi32>
    %and3A_510 = arith.andi %ge3A_506, %le3A_509 : vector<224x225xi1>
    %ge3A_511 = arith.constant 0 : i32
    %ge3A_512 = vector.broadcast %ge3A_511 : i32 to vector<224x225xi32>
    %ge3A_513 = arith.cmpi sge, %add3A_500, %ge3A_512 : vector<224x225xi32>
    %and3A_514 = arith.andi %and3A_510, %ge3A_513 : vector<224x225xi1>
    %le3A_515 = arith.constant 64 : i32
    %le3A_516 = vector.broadcast %le3A_515 : i32 to vector<224x225xi32>
    %le3A_517 = arith.cmpi sle, %add3A_500, %le3A_516 : vector<224x225xi32>
    %and3A_518 = arith.andi %and3A_514, %le3A_517 : vector<224x225xi1>
    %ge3A_519 = arith.constant 0 : i32
    %ge3A_520 = vector.broadcast %ge3A_519 : i32 to vector<224x225xi32>
    %ge3A_521 = arith.cmpi sge, %add3A_503, %ge3A_520 : vector<224x225xi32>
    %and3A_522 = arith.andi %and3A_518, %ge3A_521 : vector<224x225xi1>
    %le3A_523 = arith.constant 64 : i32
    %le3A_524 = vector.broadcast %le3A_523 : i32 to vector<224x225xi32>
    %le3A_525 = arith.cmpi sle, %add3A_503, %le3A_524 : vector<224x225xi32>
    %and3A_526 = arith.andi %and3A_522, %le3A_525 : vector<224x225xi1>
    %add3A_527 = arith.constant -65 : i32
    %add3A_528 = vector.broadcast %add3A_527 : i32 to vector<224x225xi32>
    %add3A_529 = arith.addi %add3A_65, %add3A_528 : vector<224x225xi32>
    %select_n3A_530 = arith.select %and3A_526, %add3A_529, %add3A_76 : vector<224x225xi1>, vector<224x225xi32>
    %swap3A_531 = arith.constant 10 : index
    %swap3A_532 = arith.constant 0 : index
    %swap3A_533 = arith.constant 0 : index
    %swap3A_534 = vector.load %arg2[%swap3A_531, %swap3A_532, %swap3A_533] : memref<27x224x225xi32, #tpu.memory_space<vmem>>, vector<1x224x225xi32>
    %swap3A_535 = vector.shape_cast %swap3A_534 : vector<1x224x225xi32> to vector<224x225xi32>
    %swap3A_536 = vector.shape_cast %select_n3A_530 : vector<224x225xi32> to vector<1x224x225xi32>
    tpu.vector_store %arg2[%swap3A_531, %swap3A_532, %swap3A_533], %swap3A_536 {strides = array<i32>} : memref<27x224x225xi32, #tpu.memory_space<vmem>>, vector<1x224x225xi32>,
    %add3A_537 = arith.constant 0 : i32
    %add3A_538 = vector.broadcast %add3A_537 : i32 to vector<224x225xi32>
    %add3A_539 = arith.addi %select_n3A, %add3A_538 : vector<224x225xi32>
    %add3A_540 = arith.constant -1 : i32
    %add3A_541 = vector.broadcast %add3A_540 : i32 to vector<224x225xi32>
    %add3A_542 = arith.addi %select_n3A_56, %add3A_541 : vector<224x225xi32>
    %add3A_543 = arith.constant 1 : i32
    %add3A_544 = vector.broadcast %add3A_543 : i32 to vector<224x225xi32>
    %add3A_545 = arith.addi %select_n3A_57, %add3A_544 : vector<224x225xi32>
    %ge3A_546 = arith.constant 0 : i32
    %ge3A_547 = vector.broadcast %ge3A_546 : i32 to vector<224x225xi32>
    %ge3A_548 = arith.cmpi sge, %add3A_539, %ge3A_547 : vector<224x225xi32>
    %le3A_549 = arith.constant 64 : i32
    %le3A_550 = vector.broadcast %le3A_549 : i32 to vector<224x225xi32>
    %le3A_551 = arith.cmpi sle, %add3A_539, %le3A_550 : vector<224x225xi32>
    %and3A_552 = arith.andi %ge3A_548, %le3A_551 : vector<224x225xi1>
    %ge3A_553 = arith.constant 0 : i32
    %ge3A_554 = vector.broadcast %ge3A_553 : i32 to vector<224x225xi32>
    %ge3A_555 = arith.cmpi sge, %add3A_542, %ge3A_554 : vector<224x225xi32>
    %and3A_556 = arith.andi %and3A_552, %ge3A_555 : vector<224x225xi1>
    %le3A_557 = arith.constant 64 : i32
    %le3A_558 = vector.broadcast %le3A_557 : i32 to vector<224x225xi32>
    %le3A_559 = arith.cmpi sle, %add3A_542, %le3A_558 : vector<224x225xi32>
    %and3A_560 = arith.andi %and3A_556, %le3A_559 : vector<224x225xi1>
    %ge3A_561 = arith.constant 0 : i32
    %ge3A_562 = vector.broadcast %ge3A_561 : i32 to vector<224x225xi32>
    %ge3A_563 = arith.cmpi sge, %add3A_545, %ge3A_562 : vector<224x225xi32>
    %and3A_564 = arith.andi %and3A_560, %ge3A_563 : vector<224x225xi1>
    %le3A_565 = arith.constant 64 : i32
    %le3A_566 = vector.broadcast %le3A_565 : i32 to vector<224x225xi32>
    %le3A_567 = arith.cmpi sle, %add3A_545, %le3A_566 : vector<224x225xi32>
    %and3A_568 = arith.andi %and3A_564, %le3A_567 : vector<224x225xi1>
    %add3A_569 = arith.constant -64 : i32
    %add3A_570 = vector.broadcast %add3A_569 : i32 to vector<224x225xi32>
    %add3A_571 = arith.addi %add3A_65, %add3A_570 : vector<224x225xi32>
    %select_n3A_572 = arith.select %and3A_568, %add3A_571, %add3A_76 : vector<224x225xi1>, vector<224x225xi32>
    %swap3A_573 = arith.constant 11 : index
    %swap3A_574 = arith.constant 0 : index
    %swap3A_575 = arith.constant 0 : index
    %swap3A_576 = vector.load %arg2[%swap3A_573, %swap3A_574, %swap3A_575] : memref<27x224x225xi32, #tpu.memory_space<vmem>>, vector<1x224x225xi32>
    %swap3A_577 = vector.shape_cast %swap3A_576 : vector<1x224x225xi32> to vector<224x225xi32>
    %swap3A_578 = vector.shape_cast %select_n3A_572 : vector<224x225xi32> to vector<1x224x225xi32>
    tpu.vector_store %arg2[%swap3A_573, %swap3A_574, %swap3A_575], %swap3A_578 {strides = array<i32>} : memref<27x224x225xi32, #tpu.memory_space<vmem>>, vector<1x224x225xi32>,
    %add3A_579 = arith.constant 0 : i32
    %add3A_580 = vector.broadcast %add3A_579 : i32 to vector<224x225xi32>
    %add3A_581 = arith.addi %select_n3A, %add3A_580 : vector<224x225xi32>
    %add3A_582 = arith.constant 0 : i32
    %add3A_583 = vector.broadcast %add3A_582 : i32 to vector<224x225xi32>
    %add3A_584 = arith.addi %select_n3A_56, %add3A_583 : vector<224x225xi32>
    %add3A_585 = arith.constant -1 : i32
    %add3A_586 = vector.broadcast %add3A_585 : i32 to vector<224x225xi32>
    %add3A_587 = arith.addi %select_n3A_57, %add3A_586 : vector<224x225xi32>
    %ge3A_588 = arith.constant 0 : i32
    %ge3A_589 = vector.broadcast %ge3A_588 : i32 to vector<224x225xi32>
    %ge3A_590 = arith.cmpi sge, %add3A_581, %ge3A_589 : vector<224x225xi32>
    %le3A_591 = arith.constant 64 : i32
    %le3A_592 = vector.broadcast %le3A_591 : i32 to vector<224x225xi32>
    %le3A_593 = arith.cmpi sle, %add3A_581, %le3A_592 : vector<224x225xi32>
    %and3A_594 = arith.andi %ge3A_590, %le3A_593 : vector<224x225xi1>
    %ge3A_595 = arith.constant 0 : i32
    %ge3A_596 = vector.broadcast %ge3A_595 : i32 to vector<224x225xi32>
    %ge3A_597 = arith.cmpi sge, %add3A_584, %ge3A_596 : vector<224x225xi32>
    %and3A_598 = arith.andi %and3A_594, %ge3A_597 : vector<224x225xi1>
    %le3A_599 = arith.constant 64 : i32
    %le3A_600 = vector.broadcast %le3A_599 : i32 to vector<224x225xi32>
    %le3A_601 = arith.cmpi sle, %add3A_584, %le3A_600 : vector<224x225xi32>
    %and3A_602 = arith.andi %and3A_598, %le3A_601 : vector<224x225xi1>
    %ge3A_603 = arith.constant 0 : i32
    %ge3A_604 = vector.broadcast %ge3A_603 : i32 to vector<224x225xi32>
    %ge3A_605 = arith.cmpi sge, %add3A_587, %ge3A_604 : vector<224x225xi32>
    %and3A_606 = arith.andi %and3A_602, %ge3A_605 : vector<224x225xi1>
    %le3A_607 = arith.constant 64 : i32
    %le3A_608 = vector.broadcast %le3A_607 : i32 to vector<224x225xi32>
    %le3A_609 = arith.cmpi sle, %add3A_587, %le3A_608 : vector<224x225xi32>
    %and3A_610 = arith.andi %and3A_606, %le3A_609 : vector<224x225xi1>
    %add3A_611 = arith.constant -1 : i32
    %add3A_612 = vector.broadcast %add3A_611 : i32 to vector<224x225xi32>
    %add3A_613 = arith.addi %add3A_65, %add3A_612 : vector<224x225xi32>
    %select_n3A_614 = arith.select %and3A_610, %add3A_613, %add3A_76 : vector<224x225xi1>, vector<224x225xi32>
    %swap3A_615 = arith.constant 12 : index
    %swap3A_616 = arith.constant 0 : index
    %swap3A_617 = arith.constant 0 : index
    %swap3A_618 = vector.load %arg2[%swap3A_615, %swap3A_616, %swap3A_617] : memref<27x224x225xi32, #tpu.memory_space<vmem>>, vector<1x224x225xi32>
    %swap3A_619 = vector.shape_cast %swap3A_618 : vector<1x224x225xi32> to vector<224x225xi32>
    %swap3A_620 = vector.shape_cast %select_n3A_614 : vector<224x225xi32> to vector<1x224x225xi32>
    tpu.vector_store %arg2[%swap3A_615, %swap3A_616, %swap3A_617], %swap3A_620 {strides = array<i32>} : memref<27x224x225xi32, #tpu.memory_space<vmem>>, vector<1x224x225xi32>,
    %add3A_621 = arith.constant 0 : i32
    %add3A_622 = vector.broadcast %add3A_621 : i32 to vector<224x225xi32>
    %add3A_623 = arith.addi %select_n3A, %add3A_622 : vector<224x225xi32>
    %add3A_624 = arith.constant 0 : i32
    %add3A_625 = vector.broadcast %add3A_624 : i32 to vector<224x225xi32>
    %add3A_626 = arith.addi %select_n3A_56, %add3A_625 : vector<224x225xi32>
    %add3A_627 = arith.constant 0 : i32
    %add3A_628 = vector.broadcast %add3A_627 : i32 to vector<224x225xi32>
    %add3A_629 = arith.addi %select_n3A_57, %add3A_628 : vector<224x225xi32>
    %ge3A_630 = arith.constant 0 : i32
    %ge3A_631 = vector.broadcast %ge3A_630 : i32 to vector<224x225xi32>
    %ge3A_632 = arith.cmpi sge, %add3A_623, %ge3A_631 : vector<224x225xi32>
    %le3A_633 = arith.constant 64 : i32
    %le3A_634 = vector.broadcast %le3A_633 : i32 to vector<224x225xi32>
    %le3A_635 = arith.cmpi sle, %add3A_623, %le3A_634 : vector<224x225xi32>
    %and3A_636 = arith.andi %ge3A_632, %le3A_635 : vector<224x225xi1>
    %ge3A_637 = arith.constant 0 : i32
    %ge3A_638 = vector.broadcast %ge3A_637 : i32 to vector<224x225xi32>
    %ge3A_639 = arith.cmpi sge, %add3A_626, %ge3A_638 : vector<224x225xi32>
    %and3A_640 = arith.andi %and3A_636, %ge3A_639 : vector<224x225xi1>
    %le3A_641 = arith.constant 64 : i32
    %le3A_642 = vector.broadcast %le3A_641 : i32 to vector<224x225xi32>
    %le3A_643 = arith.cmpi sle, %add3A_626, %le3A_642 : vector<224x225xi32>
    %and3A_644 = arith.andi %and3A_640, %le3A_643 : vector<224x225xi1>
    %ge3A_645 = arith.constant 0 : i32
    %ge3A_646 = vector.broadcast %ge3A_645 : i32 to vector<224x225xi32>
    %ge3A_647 = arith.cmpi sge, %add3A_629, %ge3A_646 : vector<224x225xi32>
    %and3A_648 = arith.andi %and3A_644, %ge3A_647 : vector<224x225xi1>
    %le3A_649 = arith.constant 64 : i32
    %le3A_650 = vector.broadcast %le3A_649 : i32 to vector<224x225xi32>
    %le3A_651 = arith.cmpi sle, %add3A_629, %le3A_650 : vector<224x225xi32>
    %and3A_652 = arith.andi %and3A_648, %le3A_651 : vector<224x225xi1>
    %add3A_653 = arith.constant 0 : i32
    %add3A_654 = vector.broadcast %add3A_653 : i32 to vector<224x225xi32>
    %add3A_655 = arith.addi %add3A_65, %add3A_654 : vector<224x225xi32>
    %select_n3A_656 = arith.select %and3A_652, %add3A_655, %add3A_76 : vector<224x225xi1>, vector<224x225xi32>
    %swap3A_657 = arith.constant 13 : index
    %swap3A_658 = arith.constant 0 : index
    %swap3A_659 = arith.constant 0 : index
    %swap3A_660 = vector.load %arg2[%swap3A_657, %swap3A_658, %swap3A_659] : memref<27x224x225xi32, #tpu.memory_space<vmem>>, vector<1x224x225xi32>
    %swap3A_661 = vector.shape_cast %swap3A_660 : vector<1x224x225xi32> to vector<224x225xi32>
    %swap3A_662 = vector.shape_cast %select_n3A_656 : vector<224x225xi32> to vector<1x224x225xi32>
    tpu.vector_store %arg2[%swap3A_657, %swap3A_658, %swap3A_659], %swap3A_662 {strides = array<i32>} : memref<27x224x225xi32, #tpu.memory_space<vmem>>, vector<1x224x225xi32>,
    %add3A_663 = arith.constant 0 : i32
    %add3A_664 = vector.broadcast %add3A_663 : i32 to vector<224x225xi32>
    %add3A_665 = arith.addi %select_n3A, %add3A_664 : vector<224x225xi32>
    %add3A_666 = arith.constant 0 : i32
    %add3A_667 = vector.broadcast %add3A_666 : i32 to vector<224x225xi32>
    %add3A_668 = arith.addi %select_n3A_56, %add3A_667 : vector<224x225xi32>
    %add3A_669 = arith.constant 1 : i32
    %add3A_670 = vector.broadcast %add3A_669 : i32 to vector<224x225xi32>
    %add3A_671 = arith.addi %select_n3A_57, %add3A_670 : vector<224x225xi32>
    %ge3A_672 = arith.constant 0 : i32
    %ge3A_673 = vector.broadcast %ge3A_672 : i32 to vector<224x225xi32>
    %ge3A_674 = arith.cmpi sge, %add3A_665, %ge3A_673 : vector<224x225xi32>
    %le3A_675 = arith.constant 64 : i32
    %le3A_676 = vector.broadcast %le3A_675 : i32 to vector<224x225xi32>
    %le3A_677 = arith.cmpi sle, %add3A_665, %le3A_676 : vector<224x225xi32>
    %and3A_678 = arith.andi %ge3A_674, %le3A_677 : vector<224x225xi1>
    %ge3A_679 = arith.constant 0 : i32
    %ge3A_680 = vector.broadcast %ge3A_679 : i32 to vector<224x225xi32>
    %ge3A_681 = arith.cmpi sge, %add3A_668, %ge3A_680 : vector<224x225xi32>
    %and3A_682 = arith.andi %and3A_678, %ge3A_681 : vector<224x225xi1>
    %le3A_683 = arith.constant 64 : i32
    %le3A_684 = vector.broadcast %le3A_683 : i32 to vector<224x225xi32>
    %le3A_685 = arith.cmpi sle, %add3A_668, %le3A_684 : vector<224x225xi32>
    %and3A_686 = arith.andi %and3A_682, %le3A_685 : vector<224x225xi1>
    %ge3A_687 = arith.constant 0 : i32
    %ge3A_688 = vector.broadcast %ge3A_687 : i32 to vector<224x225xi32>
    %ge3A_689 = arith.cmpi sge, %add3A_671, %ge3A_688 : vector<224x225xi32>
    %and3A_690 = arith.andi %and3A_686, %ge3A_689 : vector<224x225xi1>
    %le3A_691 = arith.constant 64 : i32
    %le3A_692 = vector.broadcast %le3A_691 : i32 to vector<224x225xi32>
    %le3A_693 = arith.cmpi sle, %add3A_671, %le3A_692 : vector<224x225xi32>
    %and3A_694 = arith.andi %and3A_690, %le3A_693 : vector<224x225xi1>
    %add3A_695 = arith.constant 1 : i32
    %add3A_696 = vector.broadcast %add3A_695 : i32 to vector<224x225xi32>
    %add3A_697 = arith.addi %add3A_65, %add3A_696 : vector<224x225xi32>
    %select_n3A_698 = arith.select %and3A_694, %add3A_697, %add3A_76 : vector<224x225xi1>, vector<224x225xi32>
    %swap3A_699 = arith.constant 14 : index
    %swap3A_700 = arith.constant 0 : index
    %swap3A_701 = arith.constant 0 : index
    %swap3A_702 = vector.load %arg2[%swap3A_699, %swap3A_700, %swap3A_701] : memref<27x224x225xi32, #tpu.memory_space<vmem>>, vector<1x224x225xi32>
    %swap3A_703 = vector.shape_cast %swap3A_702 : vector<1x224x225xi32> to vector<224x225xi32>
    %swap3A_704 = vector.shape_cast %select_n3A_698 : vector<224x225xi32> to vector<1x224x225xi32>
    tpu.vector_store %arg2[%swap3A_699, %swap3A_700, %swap3A_701], %swap3A_704 {strides = array<i32>} : memref<27x224x225xi32, #tpu.memory_space<vmem>>, vector<1x224x225xi32>,
    %add3A_705 = arith.constant 0 : i32
    %add3A_706 = vector.broadcast %add3A_705 : i32 to vector<224x225xi32>
    %add3A_707 = arith.addi %select_n3A, %add3A_706 : vector<224x225xi32>
    %add3A_708 = arith.constant 1 : i32
    %add3A_709 = vector.broadcast %add3A_708 : i32 to vector<224x225xi32>
    %add3A_710 = arith.addi %select_n3A_56, %add3A_709 : vector<224x225xi32>
    %add3A_711 = arith.constant -1 : i32
    %add3A_712 = vector.broadcast %add3A_711 : i32 to vector<224x225xi32>
    %add3A_713 = arith.addi %select_n3A_57, %add3A_712 : vector<224x225xi32>
    %ge3A_714 = arith.constant 0 : i32
    %ge3A_715 = vector.broadcast %ge3A_714 : i32 to vector<224x225xi32>
    %ge3A_716 = arith.cmpi sge, %add3A_707, %ge3A_715 : vector<224x225xi32>
    %le3A_717 = arith.constant 64 : i32
    %le3A_718 = vector.broadcast %le3A_717 : i32 to vector<224x225xi32>
    %le3A_719 = arith.cmpi sle, %add3A_707, %le3A_718 : vector<224x225xi32>
    %and3A_720 = arith.andi %ge3A_716, %le3A_719 : vector<224x225xi1>
    %ge3A_721 = arith.constant 0 : i32
    %ge3A_722 = vector.broadcast %ge3A_721 : i32 to vector<224x225xi32>
    %ge3A_723 = arith.cmpi sge, %add3A_710, %ge3A_722 : vector<224x225xi32>
    %and3A_724 = arith.andi %and3A_720, %ge3A_723 : vector<224x225xi1>
    %le3A_725 = arith.constant 64 : i32
    %le3A_726 = vector.broadcast %le3A_725 : i32 to vector<224x225xi32>
    %le3A_727 = arith.cmpi sle, %add3A_710, %le3A_726 : vector<224x225xi32>
    %and3A_728 = arith.andi %and3A_724, %le3A_727 : vector<224x225xi1>
    %ge3A_729 = arith.constant 0 : i32
    %ge3A_730 = vector.broadcast %ge3A_729 : i32 to vector<224x225xi32>
    %ge3A_731 = arith.cmpi sge, %add3A_713, %ge3A_730 : vector<224x225xi32>
    %and3A_732 = arith.andi %and3A_728, %ge3A_731 : vector<224x225xi1>
    %le3A_733 = arith.constant 64 : i32
    %le3A_734 = vector.broadcast %le3A_733 : i32 to vector<224x225xi32>
    %le3A_735 = arith.cmpi sle, %add3A_713, %le3A_734 : vector<224x225xi32>
    %and3A_736 = arith.andi %and3A_732, %le3A_735 : vector<224x225xi1>
    %add3A_737 = arith.constant 64 : i32
    %add3A_738 = vector.broadcast %add3A_737 : i32 to vector<224x225xi32>
    %add3A_739 = arith.addi %add3A_65, %add3A_738 : vector<224x225xi32>
    %select_n3A_740 = arith.select %and3A_736, %add3A_739, %add3A_76 : vector<224x225xi1>, vector<224x225xi32>
    %swap3A_741 = arith.constant 15 : index
    %swap3A_742 = arith.constant 0 : index
    %swap3A_743 = arith.constant 0 : index
    %swap3A_744 = vector.load %arg2[%swap3A_741, %swap3A_742, %swap3A_743] : memref<27x224x225xi32, #tpu.memory_space<vmem>>, vector<1x224x225xi32>
    %swap3A_745 = vector.shape_cast %swap3A_744 : vector<1x224x225xi32> to vector<224x225xi32>
    %swap3A_746 = vector.shape_cast %select_n3A_740 : vector<224x225xi32> to vector<1x224x225xi32>
    tpu.vector_store %arg2[%swap3A_741, %swap3A_742, %swap3A_743], %swap3A_746 {strides = array<i32>} : memref<27x224x225xi32, #tpu.memory_space<vmem>>, vector<1x224x225xi32>,
    %add3A_747 = arith.constant 0 : i32
    %add3A_748 = vector.broadcast %add3A_747 : i32 to vector<224x225xi32>
    %add3A_749 = arith.addi %select_n3A, %add3A_748 : vector<224x225xi32>
    %add3A_750 = arith.constant 1 : i32
    %add3A_751 = vector.broadcast %add3A_750 : i32 to vector<224x225xi32>
    %add3A_752 = arith.addi %select_n3A_56, %add3A_751 : vector<224x225xi32>
    %add3A_753 = arith.constant 0 : i32
    %add3A_754 = vector.broadcast %add3A_753 : i32 to vector<224x225xi32>
    %add3A_755 = arith.addi %select_n3A_57, %add3A_754 : vector<224x225xi32>
    %ge3A_756 = arith.constant 0 : i32
    %ge3A_757 = vector.broadcast %ge3A_756 : i32 to vector<224x225xi32>
    %ge3A_758 = arith.cmpi sge, %add3A_749, %ge3A_757 : vector<224x225xi32>
    %le3A_759 = arith.constant 64 : i32
    %le3A_760 = vector.broadcast %le3A_759 : i32 to vector<224x225xi32>
    %le3A_761 = arith.cmpi sle, %add3A_749, %le3A_760 : vector<224x225xi32>
    %and3A_762 = arith.andi %ge3A_758, %le3A_761 : vector<224x225xi1>
    %ge3A_763 = arith.constant 0 : i32
    %ge3A_764 = vector.broadcast %ge3A_763 : i32 to vector<224x225xi32>
    %ge3A_765 = arith.cmpi sge, %add3A_752, %ge3A_764 : vector<224x225xi32>
    %and3A_766 = arith.andi %and3A_762, %ge3A_765 : vector<224x225xi1>
    %le3A_767 = arith.constant 64 : i32
    %le3A_768 = vector.broadcast %le3A_767 : i32 to vector<224x225xi32>
    %le3A_769 = arith.cmpi sle, %add3A_752, %le3A_768 : vector<224x225xi32>
    %and3A_770 = arith.andi %and3A_766, %le3A_769 : vector<224x225xi1>
    %ge3A_771 = arith.constant 0 : i32
    %ge3A_772 = vector.broadcast %ge3A_771 : i32 to vector<224x225xi32>
    %ge3A_773 = arith.cmpi sge, %add3A_755, %ge3A_772 : vector<224x225xi32>
    %and3A_774 = arith.andi %and3A_770, %ge3A_773 : vector<224x225xi1>
    %le3A_775 = arith.constant 64 : i32
    %le3A_776 = vector.broadcast %le3A_775 : i32 to vector<224x225xi32>
    %le3A_777 = arith.cmpi sle, %add3A_755, %le3A_776 : vector<224x225xi32>
    %and3A_778 = arith.andi %and3A_774, %le3A_777 : vector<224x225xi1>
    %add3A_779 = arith.constant 65 : i32
    %add3A_780 = vector.broadcast %add3A_779 : i32 to vector<224x225xi32>
    %add3A_781 = arith.addi %add3A_65, %add3A_780 : vector<224x225xi32>
    %select_n3A_782 = arith.select %and3A_778, %add3A_781, %add3A_76 : vector<224x225xi1>, vector<224x225xi32>
    %swap3A_783 = arith.constant 16 : index
    %swap3A_784 = arith.constant 0 : index
    %swap3A_785 = arith.constant 0 : index
    %swap3A_786 = vector.load %arg2[%swap3A_783, %swap3A_784, %swap3A_785] : memref<27x224x225xi32, #tpu.memory_space<vmem>>, vector<1x224x225xi32>
    %swap3A_787 = vector.shape_cast %swap3A_786 : vector<1x224x225xi32> to vector<224x225xi32>
    %swap3A_788 = vector.shape_cast %select_n3A_782 : vector<224x225xi32> to vector<1x224x225xi32>
    tpu.vector_store %arg2[%swap3A_783, %swap3A_784, %swap3A_785], %swap3A_788 {strides = array<i32>} : memref<27x224x225xi32, #tpu.memory_space<vmem>>, vector<1x224x225xi32>,
    %add3A_789 = arith.constant 0 : i32
    %add3A_790 = vector.broadcast %add3A_789 : i32 to vector<224x225xi32>
    %add3A_791 = arith.addi %select_n3A, %add3A_790 : vector<224x225xi32>
    %add3A_792 = arith.constant 1 : i32
    %add3A_793 = vector.broadcast %add3A_792 : i32 to vector<224x225xi32>
    %add3A_794 = arith.addi %select_n3A_56, %add3A_793 : vector<224x225xi32>
    %add3A_795 = arith.constant 1 : i32
    %add3A_796 = vector.broadcast %add3A_795 : i32 to vector<224x225xi32>
    %add3A_797 = arith.addi %select_n3A_57, %add3A_796 : vector<224x225xi32>
    %ge3A_798 = arith.constant 0 : i32
    %ge3A_799 = vector.broadcast %ge3A_798 : i32 to vector<224x225xi32>
    %ge3A_800 = arith.cmpi sge, %add3A_791, %ge3A_799 : vector<224x225xi32>
    %le3A_801 = arith.constant 64 : i32
    %le3A_802 = vector.broadcast %le3A_801 : i32 to vector<224x225xi32>
    %le3A_803 = arith.cmpi sle, %add3A_791, %le3A_802 : vector<224x225xi32>
    %and3A_804 = arith.andi %ge3A_800, %le3A_803 : vector<224x225xi1>
    %ge3A_805 = arith.constant 0 : i32
    %ge3A_806 = vector.broadcast %ge3A_805 : i32 to vector<224x225xi32>
    %ge3A_807 = arith.cmpi sge, %add3A_794, %ge3A_806 : vector<224x225xi32>
    %and3A_808 = arith.andi %and3A_804, %ge3A_807 : vector<224x225xi1>
    %le3A_809 = arith.constant 64 : i32
    %le3A_810 = vector.broadcast %le3A_809 : i32 to vector<224x225xi32>
    %le3A_811 = arith.cmpi sle, %add3A_794, %le3A_810 : vector<224x225xi32>
    %and3A_812 = arith.andi %and3A_808, %le3A_811 : vector<224x225xi1>
    %ge3A_813 = arith.constant 0 : i32
    %ge3A_814 = vector.broadcast %ge3A_813 : i32 to vector<224x225xi32>
    %ge3A_815 = arith.cmpi sge, %add3A_797, %ge3A_814 : vector<224x225xi32>
    %and3A_816 = arith.andi %and3A_812, %ge3A_815 : vector<224x225xi1>
    %le3A_817 = arith.constant 64 : i32
    %le3A_818 = vector.broadcast %le3A_817 : i32 to vector<224x225xi32>
    %le3A_819 = arith.cmpi sle, %add3A_797, %le3A_818 : vector<224x225xi32>
    %and3A_820 = arith.andi %and3A_816, %le3A_819 : vector<224x225xi1>
    %add3A_821 = arith.constant 66 : i32
    %add3A_822 = vector.broadcast %add3A_821 : i32 to vector<224x225xi32>
    %add3A_823 = arith.addi %add3A_65, %add3A_822 : vector<224x225xi32>
    %select_n3A_824 = arith.select %and3A_820, %add3A_823, %add3A_76 : vector<224x225xi1>, vector<224x225xi32>
    %swap3A_825 = arith.constant 17 : index
    %swap3A_826 = arith.constant 0 : index
    %swap3A_827 = arith.constant 0 : index
    %swap3A_828 = vector.load %arg2[%swap3A_825, %swap3A_826, %swap3A_827] : memref<27x224x225xi32, #tpu.memory_space<vmem>>, vector<1x224x225xi32>
    %swap3A_829 = vector.shape_cast %swap3A_828 : vector<1x224x225xi32> to vector<224x225xi32>
    %swap3A_830 = vector.shape_cast %select_n3A_824 : vector<224x225xi32> to vector<1x224x225xi32>
    tpu.vector_store %arg2[%swap3A_825, %swap3A_826, %swap3A_827], %swap3A_830 {strides = array<i32>} : memref<27x224x225xi32, #tpu.memory_space<vmem>>, vector<1x224x225xi32>,
    %add3A_831 = arith.constant 1 : i32
    %add3A_832 = vector.broadcast %add3A_831 : i32 to vector<224x225xi32>
    %add3A_833 = arith.addi %select_n3A, %add3A_832 : vector<224x225xi32>
    %add3A_834 = arith.constant -1 : i32
    %add3A_835 = vector.broadcast %add3A_834 : i32 to vector<224x225xi32>
    %add3A_836 = arith.addi %select_n3A_56, %add3A_835 : vector<224x225xi32>
    %add3A_837 = arith.constant -1 : i32
    %add3A_838 = vector.broadcast %add3A_837 : i32 to vector<224x225xi32>
    %add3A_839 = arith.addi %select_n3A_57, %add3A_838 : vector<224x225xi32>
    %ge3A_840 = arith.constant 0 : i32
    %ge3A_841 = vector.broadcast %ge3A_840 : i32 to vector<224x225xi32>
    %ge3A_842 = arith.cmpi sge, %add3A_833, %ge3A_841 : vector<224x225xi32>
    %le3A_843 = arith.constant 64 : i32
    %le3A_844 = vector.broadcast %le3A_843 : i32 to vector<224x225xi32>
    %le3A_845 = arith.cmpi sle, %add3A_833, %le3A_844 : vector<224x225xi32>
    %and3A_846 = arith.andi %ge3A_842, %le3A_845 : vector<224x225xi1>
    %ge3A_847 = arith.constant 0 : i32
    %ge3A_848 = vector.broadcast %ge3A_847 : i32 to vector<224x225xi32>
    %ge3A_849 = arith.cmpi sge, %add3A_836, %ge3A_848 : vector<224x225xi32>
    %and3A_850 = arith.andi %and3A_846, %ge3A_849 : vector<224x225xi1>
    %le3A_851 = arith.constant 64 : i32
    %le3A_852 = vector.broadcast %le3A_851 : i32 to vector<224x225xi32>
    %le3A_853 = arith.cmpi sle, %add3A_836, %le3A_852 : vector<224x225xi32>
    %and3A_854 = arith.andi %and3A_850, %le3A_853 : vector<224x225xi1>
    %ge3A_855 = arith.constant 0 : i32
    %ge3A_856 = vector.broadcast %ge3A_855 : i32 to vector<224x225xi32>
    %ge3A_857 = arith.cmpi sge, %add3A_839, %ge3A_856 : vector<224x225xi32>
    %and3A_858 = arith.andi %and3A_854, %ge3A_857 : vector<224x225xi1>
    %le3A_859 = arith.constant 64 : i32
    %le3A_860 = vector.broadcast %le3A_859 : i32 to vector<224x225xi32>
    %le3A_861 = arith.cmpi sle, %add3A_839, %le3A_860 : vector<224x225xi32>
    %and3A_862 = arith.andi %and3A_858, %le3A_861 : vector<224x225xi1>
    %add3A_863 = arith.constant 4159 : i32
    %add3A_864 = vector.broadcast %add3A_863 : i32 to vector<224x225xi32>
    %add3A_865 = arith.addi %add3A_65, %add3A_864 : vector<224x225xi32>
    %select_n3A_866 = arith.select %and3A_862, %add3A_865, %add3A_76 : vector<224x225xi1>, vector<224x225xi32>
    %swap3A_867 = arith.constant 18 : index
    %swap3A_868 = arith.constant 0 : index
    %swap3A_869 = arith.constant 0 : index
    %swap3A_870 = vector.load %arg2[%swap3A_867, %swap3A_868, %swap3A_869] : memref<27x224x225xi32, #tpu.memory_space<vmem>>, vector<1x224x225xi32>
    %swap3A_871 = vector.shape_cast %swap3A_870 : vector<1x224x225xi32> to vector<224x225xi32>
    %swap3A_872 = vector.shape_cast %select_n3A_866 : vector<224x225xi32> to vector<1x224x225xi32>
    tpu.vector_store %arg2[%swap3A_867, %swap3A_868, %swap3A_869], %swap3A_872 {strides = array<i32>} : memref<27x224x225xi32, #tpu.memory_space<vmem>>, vector<1x224x225xi32>,
    %add3A_873 = arith.constant 1 : i32
    %add3A_874 = vector.broadcast %add3A_873 : i32 to vector<224x225xi32>
    %add3A_875 = arith.addi %select_n3A, %add3A_874 : vector<224x225xi32>
    %add3A_876 = arith.constant -1 : i32
    %add3A_877 = vector.broadcast %add3A_876 : i32 to vector<224x225xi32>
    %add3A_878 = arith.addi %select_n3A_56, %add3A_877 : vector<224x225xi32>
    %add3A_879 = arith.constant 0 : i32
    %add3A_880 = vector.broadcast %add3A_879 : i32 to vector<224x225xi32>
    %add3A_881 = arith.addi %select_n3A_57, %add3A_880 : vector<224x225xi32>
    %ge3A_882 = arith.constant 0 : i32
    %ge3A_883 = vector.broadcast %ge3A_882 : i32 to vector<224x225xi32>
    %ge3A_884 = arith.cmpi sge, %add3A_875, %ge3A_883 : vector<224x225xi32>
    %le3A_885 = arith.constant 64 : i32
    %le3A_886 = vector.broadcast %le3A_885 : i32 to vector<224x225xi32>
    %le3A_887 = arith.cmpi sle, %add3A_875, %le3A_886 : vector<224x225xi32>
    %and3A_888 = arith.andi %ge3A_884, %le3A_887 : vector<224x225xi1>
    %ge3A_889 = arith.constant 0 : i32
    %ge3A_890 = vector.broadcast %ge3A_889 : i32 to vector<224x225xi32>
    %ge3A_891 = arith.cmpi sge, %add3A_878, %ge3A_890 : vector<224x225xi32>
    %and3A_892 = arith.andi %and3A_888, %ge3A_891 : vector<224x225xi1>
    %le3A_893 = arith.constant 64 : i32
    %le3A_894 = vector.broadcast %le3A_893 : i32 to vector<224x225xi32>
    %le3A_895 = arith.cmpi sle, %add3A_878, %le3A_894 : vector<224x225xi32>
    %and3A_896 = arith.andi %and3A_892, %le3A_895 : vector<224x225xi1>
    %ge3A_897 = arith.constant 0 : i32
    %ge3A_898 = vector.broadcast %ge3A_897 : i32 to vector<224x225xi32>
    %ge3A_899 = arith.cmpi sge, %add3A_881, %ge3A_898 : vector<224x225xi32>
    %and3A_900 = arith.andi %and3A_896, %ge3A_899 : vector<224x225xi1>
    %le3A_901 = arith.constant 64 : i32
    %le3A_902 = vector.broadcast %le3A_901 : i32 to vector<224x225xi32>
    %le3A_903 = arith.cmpi sle, %add3A_881, %le3A_902 : vector<224x225xi32>
    %and3A_904 = arith.andi %and3A_900, %le3A_903 : vector<224x225xi1>
    %add3A_905 = arith.constant 4160 : i32
    %add3A_906 = vector.broadcast %add3A_905 : i32 to vector<224x225xi32>
    %add3A_907 = arith.addi %add3A_65, %add3A_906 : vector<224x225xi32>
    %select_n3A_908 = arith.select %and3A_904, %add3A_907, %add3A_76 : vector<224x225xi1>, vector<224x225xi32>
    %swap3A_909 = arith.constant 19 : index
    %swap3A_910 = arith.constant 0 : index
    %swap3A_911 = arith.constant 0 : index
    %swap3A_912 = vector.load %arg2[%swap3A_909, %swap3A_910, %swap3A_911] : memref<27x224x225xi32, #tpu.memory_space<vmem>>, vector<1x224x225xi32>
    %swap3A_913 = vector.shape_cast %swap3A_912 : vector<1x224x225xi32> to vector<224x225xi32>
    %swap3A_914 = vector.shape_cast %select_n3A_908 : vector<224x225xi32> to vector<1x224x225xi32>
    tpu.vector_store %arg2[%swap3A_909, %swap3A_910, %swap3A_911], %swap3A_914 {strides = array<i32>} : memref<27x224x225xi32, #tpu.memory_space<vmem>>, vector<1x224x225xi32>,
    %add3A_915 = arith.constant 1 : i32
    %add3A_916 = vector.broadcast %add3A_915 : i32 to vector<224x225xi32>
    %add3A_917 = arith.addi %select_n3A, %add3A_916 : vector<224x225xi32>
    %add3A_918 = arith.constant -1 : i32
    %add3A_919 = vector.broadcast %add3A_918 : i32 to vector<224x225xi32>
    %add3A_920 = arith.addi %select_n3A_56, %add3A_919 : vector<224x225xi32>
    %add3A_921 = arith.constant 1 : i32
    %add3A_922 = vector.broadcast %add3A_921 : i32 to vector<224x225xi32>
    %add3A_923 = arith.addi %select_n3A_57, %add3A_922 : vector<224x225xi32>
    %ge3A_924 = arith.constant 0 : i32
    %ge3A_925 = vector.broadcast %ge3A_924 : i32 to vector<224x225xi32>
    %ge3A_926 = arith.cmpi sge, %add3A_917, %ge3A_925 : vector<224x225xi32>
    %le3A_927 = arith.constant 64 : i32
    %le3A_928 = vector.broadcast %le3A_927 : i32 to vector<224x225xi32>
    %le3A_929 = arith.cmpi sle, %add3A_917, %le3A_928 : vector<224x225xi32>
    %and3A_930 = arith.andi %ge3A_926, %le3A_929 : vector<224x225xi1>
    %ge3A_931 = arith.constant 0 : i32
    %ge3A_932 = vector.broadcast %ge3A_931 : i32 to vector<224x225xi32>
    %ge3A_933 = arith.cmpi sge, %add3A_920, %ge3A_932 : vector<224x225xi32>
    %and3A_934 = arith.andi %and3A_930, %ge3A_933 : vector<224x225xi1>
    %le3A_935 = arith.constant 64 : i32
    %le3A_936 = vector.broadcast %le3A_935 : i32 to vector<224x225xi32>
    %le3A_937 = arith.cmpi sle, %add3A_920, %le3A_936 : vector<224x225xi32>
    %and3A_938 = arith.andi %and3A_934, %le3A_937 : vector<224x225xi1>
    %ge3A_939 = arith.constant 0 : i32
    %ge3A_940 = vector.broadcast %ge3A_939 : i32 to vector<224x225xi32>
    %ge3A_941 = arith.cmpi sge, %add3A_923, %ge3A_940 : vector<224x225xi32>
    %and3A_942 = arith.andi %and3A_938, %ge3A_941 : vector<224x225xi1>
    %le3A_943 = arith.constant 64 : i32
    %le3A_944 = vector.broadcast %le3A_943 : i32 to vector<224x225xi32>
    %le3A_945 = arith.cmpi sle, %add3A_923, %le3A_944 : vector<224x225xi32>
    %and3A_946 = arith.andi %and3A_942, %le3A_945 : vector<224x225xi1>
    %add3A_947 = arith.constant 4161 : i32
    %add3A_948 = vector.broadcast %add3A_947 : i32 to vector<224x225xi32>
    %add3A_949 = arith.addi %add3A_65, %add3A_948 : vector<224x225xi32>
    %select_n3A_950 = arith.select %and3A_946, %add3A_949, %add3A_76 : vector<224x225xi1>, vector<224x225xi32>
    %swap3A_951 = arith.constant 20 : index
    %swap3A_952 = arith.constant 0 : index
    %swap3A_953 = arith.constant 0 : index
    %swap3A_954 = vector.load %arg2[%swap3A_951, %swap3A_952, %swap3A_953] : memref<27x224x225xi32, #tpu.memory_space<vmem>>, vector<1x224x225xi32>
    %swap3A_955 = vector.shape_cast %swap3A_954 : vector<1x224x225xi32> to vector<224x225xi32>
    %swap3A_956 = vector.shape_cast %select_n3A_950 : vector<224x225xi32> to vector<1x224x225xi32>
    tpu.vector_store %arg2[%swap3A_951, %swap3A_952, %swap3A_953], %swap3A_956 {strides = array<i32>} : memref<27x224x225xi32, #tpu.memory_space<vmem>>, vector<1x224x225xi32>,
    %add3A_957 = arith.constant 1 : i32
    %add3A_958 = vector.broadcast %add3A_957 : i32 to vector<224x225xi32>
    %add3A_959 = arith.addi %select_n3A, %add3A_958 : vector<224x225xi32>
    %add3A_960 = arith.constant 0 : i32
    %add3A_961 = vector.broadcast %add3A_960 : i32 to vector<224x225xi32>
    %add3A_962 = arith.addi %select_n3A_56, %add3A_961 : vector<224x225xi32>
    %add3A_963 = arith.constant -1 : i32
    %add3A_964 = vector.broadcast %add3A_963 : i32 to vector<224x225xi32>
    %add3A_965 = arith.addi %select_n3A_57, %add3A_964 : vector<224x225xi32>
    %ge3A_966 = arith.constant 0 : i32
    %ge3A_967 = vector.broadcast %ge3A_966 : i32 to vector<224x225xi32>
    %ge3A_968 = arith.cmpi sge, %add3A_959, %ge3A_967 : vector<224x225xi32>
    %le3A_969 = arith.constant 64 : i32
    %le3A_970 = vector.broadcast %le3A_969 : i32 to vector<224x225xi32>
    %le3A_971 = arith.cmpi sle, %add3A_959, %le3A_970 : vector<224x225xi32>
    %and3A_972 = arith.andi %ge3A_968, %le3A_971 : vector<224x225xi1>
    %ge3A_973 = arith.constant 0 : i32
    %ge3A_974 = vector.broadcast %ge3A_973 : i32 to vector<224x225xi32>
    %ge3A_975 = arith.cmpi sge, %add3A_962, %ge3A_974 : vector<224x225xi32>
    %and3A_976 = arith.andi %and3A_972, %ge3A_975 : vector<224x225xi1>
    %le3A_977 = arith.constant 64 : i32
    %le3A_978 = vector.broadcast %le3A_977 : i32 to vector<224x225xi32>
    %le3A_979 = arith.cmpi sle, %add3A_962, %le3A_978 : vector<224x225xi32>
    %and3A_980 = arith.andi %and3A_976, %le3A_979 : vector<224x225xi1>
    %ge3A_981 = arith.constant 0 : i32
    %ge3A_982 = vector.broadcast %ge3A_981 : i32 to vector<224x225xi32>
    %ge3A_983 = arith.cmpi sge, %add3A_965, %ge3A_982 : vector<224x225xi32>
    %and3A_984 = arith.andi %and3A_980, %ge3A_983 : vector<224x225xi1>
    %le3A_985 = arith.constant 64 : i32
    %le3A_986 = vector.broadcast %le3A_985 : i32 to vector<224x225xi32>
    %le3A_987 = arith.cmpi sle, %add3A_965, %le3A_986 : vector<224x225xi32>
    %and3A_988 = arith.andi %and3A_984, %le3A_987 : vector<224x225xi1>
    %add3A_989 = arith.constant 4224 : i32
    %add3A_990 = vector.broadcast %add3A_989 : i32 to vector<224x225xi32>
    %add3A_991 = arith.addi %add3A_65, %add3A_990 : vector<224x225xi32>
    %select_n3A_992 = arith.select %and3A_988, %add3A_991, %add3A_76 : vector<224x225xi1>, vector<224x225xi32>
    %swap3A_993 = arith.constant 21 : index
    %swap3A_994 = arith.constant 0 : index
    %swap3A_995 = arith.constant 0 : index
    %swap3A_996 = vector.load %arg2[%swap3A_993, %swap3A_994, %swap3A_995] : memref<27x224x225xi32, #tpu.memory_space<vmem>>, vector<1x224x225xi32>
    %swap3A_997 = vector.shape_cast %swap3A_996 : vector<1x224x225xi32> to vector<224x225xi32>
    %swap3A_998 = vector.shape_cast %select_n3A_992 : vector<224x225xi32> to vector<1x224x225xi32>
    tpu.vector_store %arg2[%swap3A_993, %swap3A_994, %swap3A_995], %swap3A_998 {strides = array<i32>} : memref<27x224x225xi32, #tpu.memory_space<vmem>>, vector<1x224x225xi32>,
    %add3A_999 = arith.constant 1 : i32
    %add3A_1000 = vector.broadcast %add3A_999 : i32 to vector<224x225xi32>
    %add3A_1001 = arith.addi %select_n3A, %add3A_1000 : vector<224x225xi32>
    %add3A_1002 = arith.constant 0 : i32
    %add3A_1003 = vector.broadcast %add3A_1002 : i32 to vector<224x225xi32>
    %add3A_1004 = arith.addi %select_n3A_56, %add3A_1003 : vector<224x225xi32>
    %add3A_1005 = arith.constant 0 : i32
    %add3A_1006 = vector.broadcast %add3A_1005 : i32 to vector<224x225xi32>
    %add3A_1007 = arith.addi %select_n3A_57, %add3A_1006 : vector<224x225xi32>
    %ge3A_1008 = arith.constant 0 : i32
    %ge3A_1009 = vector.broadcast %ge3A_1008 : i32 to vector<224x225xi32>
    %ge3A_1010 = arith.cmpi sge, %add3A_1001, %ge3A_1009 : vector<224x225xi32>
    %le3A_1011 = arith.constant 64 : i32
    %le3A_1012 = vector.broadcast %le3A_1011 : i32 to vector<224x225xi32>
    %le3A_1013 = arith.cmpi sle, %add3A_1001, %le3A_1012 : vector<224x225xi32>
    %and3A_1014 = arith.andi %ge3A_1010, %le3A_1013 : vector<224x225xi1>
    %ge3A_1015 = arith.constant 0 : i32
    %ge3A_1016 = vector.broadcast %ge3A_1015 : i32 to vector<224x225xi32>
    %ge3A_1017 = arith.cmpi sge, %add3A_1004, %ge3A_1016 : vector<224x225xi32>
    %and3A_1018 = arith.andi %and3A_1014, %ge3A_1017 : vector<224x225xi1>
    %le3A_1019 = arith.constant 64 : i32
    %le3A_1020 = vector.broadcast %le3A_1019 : i32 to vector<224x225xi32>
    %le3A_1021 = arith.cmpi sle, %add3A_1004, %le3A_1020 : vector<224x225xi32>
    %and3A_1022 = arith.andi %and3A_1018, %le3A_1021 : vector<224x225xi1>
    %ge3A_1023 = arith.constant 0 : i32
    %ge3A_1024 = vector.broadcast %ge3A_1023 : i32 to vector<224x225xi32>
    %ge3A_1025 = arith.cmpi sge, %add3A_1007, %ge3A_1024 : vector<224x225xi32>
    %and3A_1026 = arith.andi %and3A_1022, %ge3A_1025 : vector<224x225xi1>
    %le3A_1027 = arith.constant 64 : i32
    %le3A_1028 = vector.broadcast %le3A_1027 : i32 to vector<224x225xi32>
    %le3A_1029 = arith.cmpi sle, %add3A_1007, %le3A_1028 : vector<224x225xi32>
    %and3A_1030 = arith.andi %and3A_1026, %le3A_1029 : vector<224x225xi1>
    %add3A_1031 = arith.constant 4225 : i32
    %add3A_1032 = vector.broadcast %add3A_1031 : i32 to vector<224x225xi32>
    %add3A_1033 = arith.addi %add3A_65, %add3A_1032 : vector<224x225xi32>
    %select_n3A_1034 = arith.select %and3A_1030, %add3A_1033, %add3A_76 : vector<224x225xi1>, vector<224x225xi32>
    %swap3A_1035 = arith.constant 22 : index
    %swap3A_1036 = arith.constant 0 : index
    %swap3A_1037 = arith.constant 0 : index
    %swap3A_1038 = vector.load %arg2[%swap3A_1035, %swap3A_1036, %swap3A_1037] : memref<27x224x225xi32, #tpu.memory_space<vmem>>, vector<1x224x225xi32>
    %swap3A_1039 = vector.shape_cast %swap3A_1038 : vector<1x224x225xi32> to vector<224x225xi32>
    %swap3A_1040 = vector.shape_cast %select_n3A_1034 : vector<224x225xi32> to vector<1x224x225xi32>
    tpu.vector_store %arg2[%swap3A_1035, %swap3A_1036, %swap3A_1037], %swap3A_1040 {strides = array<i32>} : memref<27x224x225xi32, #tpu.memory_space<vmem>>, vector<1x224x225xi32>,
    %add3A_1041 = arith.constant 1 : i32
    %add3A_1042 = vector.broadcast %add3A_1041 : i32 to vector<224x225xi32>
    %add3A_1043 = arith.addi %select_n3A, %add3A_1042 : vector<224x225xi32>
    %add3A_1044 = arith.constant 0 : i32
    %add3A_1045 = vector.broadcast %add3A_1044 : i32 to vector<224x225xi32>
    %add3A_1046 = arith.addi %select_n3A_56, %add3A_1045 : vector<224x225xi32>
    %add3A_1047 = arith.constant 1 : i32
    %add3A_1048 = vector.broadcast %add3A_1047 : i32 to vector<224x225xi32>
    %add3A_1049 = arith.addi %select_n3A_57, %add3A_1048 : vector<224x225xi32>
    %ge3A_1050 = arith.constant 0 : i32
    %ge3A_1051 = vector.broadcast %ge3A_1050 : i32 to vector<224x225xi32>
    %ge3A_1052 = arith.cmpi sge, %add3A_1043, %ge3A_1051 : vector<224x225xi32>
    %le3A_1053 = arith.constant 64 : i32
    %le3A_1054 = vector.broadcast %le3A_1053 : i32 to vector<224x225xi32>
    %le3A_1055 = arith.cmpi sle, %add3A_1043, %le3A_1054 : vector<224x225xi32>
    %and3A_1056 = arith.andi %ge3A_1052, %le3A_1055 : vector<224x225xi1>
    %ge3A_1057 = arith.constant 0 : i32
    %ge3A_1058 = vector.broadcast %ge3A_1057 : i32 to vector<224x225xi32>
    %ge3A_1059 = arith.cmpi sge, %add3A_1046, %ge3A_1058 : vector<224x225xi32>
    %and3A_1060 = arith.andi %and3A_1056, %ge3A_1059 : vector<224x225xi1>
    %le3A_1061 = arith.constant 64 : i32
    %le3A_1062 = vector.broadcast %le3A_1061 : i32 to vector<224x225xi32>
    %le3A_1063 = arith.cmpi sle, %add3A_1046, %le3A_1062 : vector<224x225xi32>
    %and3A_1064 = arith.andi %and3A_1060, %le3A_1063 : vector<224x225xi1>
    %ge3A_1065 = arith.constant 0 : i32
    %ge3A_1066 = vector.broadcast %ge3A_1065 : i32 to vector<224x225xi32>
    %ge3A_1067 = arith.cmpi sge, %add3A_1049, %ge3A_1066 : vector<224x225xi32>
    %and3A_1068 = arith.andi %and3A_1064, %ge3A_1067 : vector<224x225xi1>
    %le3A_1069 = arith.constant 64 : i32
    %le3A_1070 = vector.broadcast %le3A_1069 : i32 to vector<224x225xi32>
    %le3A_1071 = arith.cmpi sle, %add3A_1049, %le3A_1070 : vector<224x225xi32>
    %and3A_1072 = arith.andi %and3A_1068, %le3A_1071 : vector<224x225xi1>
    %add3A_1073 = arith.constant 4226 : i32
    %add3A_1074 = vector.broadcast %add3A_1073 : i32 to vector<224x225xi32>
    %add3A_1075 = arith.addi %add3A_65, %add3A_1074 : vector<224x225xi32>
    %select_n3A_1076 = arith.select %and3A_1072, %add3A_1075, %add3A_76 : vector<224x225xi1>, vector<224x225xi32>
    %swap3A_1077 = arith.constant 23 : index
    %swap3A_1078 = arith.constant 0 : index
    %swap3A_1079 = arith.constant 0 : index
    %swap3A_1080 = vector.load %arg2[%swap3A_1077, %swap3A_1078, %swap3A_1079] : memref<27x224x225xi32, #tpu.memory_space<vmem>>, vector<1x224x225xi32>
    %swap3A_1081 = vector.shape_cast %swap3A_1080 : vector<1x224x225xi32> to vector<224x225xi32>
    %swap3A_1082 = vector.shape_cast %select_n3A_1076 : vector<224x225xi32> to vector<1x224x225xi32>
    tpu.vector_store %arg2[%swap3A_1077, %swap3A_1078, %swap3A_1079], %swap3A_1082 {strides = array<i32>} : memref<27x224x225xi32, #tpu.memory_space<vmem>>, vector<1x224x225xi32>,
    %add3A_1083 = arith.constant 1 : i32
    %add3A_1084 = vector.broadcast %add3A_1083 : i32 to vector<224x225xi32>
    %add3A_1085 = arith.addi %select_n3A, %add3A_1084 : vector<224x225xi32>
    %add3A_1086 = arith.constant 1 : i32
    %add3A_1087 = vector.broadcast %add3A_1086 : i32 to vector<224x225xi32>
    %add3A_1088 = arith.addi %select_n3A_56, %add3A_1087 : vector<224x225xi32>
    %add3A_1089 = arith.constant -1 : i32
    %add3A_1090 = vector.broadcast %add3A_1089 : i32 to vector<224x225xi32>
    %add3A_1091 = arith.addi %select_n3A_57, %add3A_1090 : vector<224x225xi32>
    %ge3A_1092 = arith.constant 0 : i32
    %ge3A_1093 = vector.broadcast %ge3A_1092 : i32 to vector<224x225xi32>
    %ge3A_1094 = arith.cmpi sge, %add3A_1085, %ge3A_1093 : vector<224x225xi32>
    %le3A_1095 = arith.constant 64 : i32
    %le3A_1096 = vector.broadcast %le3A_1095 : i32 to vector<224x225xi32>
    %le3A_1097 = arith.cmpi sle, %add3A_1085, %le3A_1096 : vector<224x225xi32>
    %and3A_1098 = arith.andi %ge3A_1094, %le3A_1097 : vector<224x225xi1>
    %ge3A_1099 = arith.constant 0 : i32
    %ge3A_1100 = vector.broadcast %ge3A_1099 : i32 to vector<224x225xi32>
    %ge3A_1101 = arith.cmpi sge, %add3A_1088, %ge3A_1100 : vector<224x225xi32>
    %and3A_1102 = arith.andi %and3A_1098, %ge3A_1101 : vector<224x225xi1>
    %le3A_1103 = arith.constant 64 : i32
    %le3A_1104 = vector.broadcast %le3A_1103 : i32 to vector<224x225xi32>
    %le3A_1105 = arith.cmpi sle, %add3A_1088, %le3A_1104 : vector<224x225xi32>
    %and3A_1106 = arith.andi %and3A_1102, %le3A_1105 : vector<224x225xi1>
    %ge3A_1107 = arith.constant 0 : i32
    %ge3A_1108 = vector.broadcast %ge3A_1107 : i32 to vector<224x225xi32>
    %ge3A_1109 = arith.cmpi sge, %add3A_1091, %ge3A_1108 : vector<224x225xi32>
    %and3A_1110 = arith.andi %and3A_1106, %ge3A_1109 : vector<224x225xi1>
    %le3A_1111 = arith.constant 64 : i32
    %le3A_1112 = vector.broadcast %le3A_1111 : i32 to vector<224x225xi32>
    %le3A_1113 = arith.cmpi sle, %add3A_1091, %le3A_1112 : vector<224x225xi32>
    %and3A_1114 = arith.andi %and3A_1110, %le3A_1113 : vector<224x225xi1>
    %add3A_1115 = arith.constant 4289 : i32
    %add3A_1116 = vector.broadcast %add3A_1115 : i32 to vector<224x225xi32>
    %add3A_1117 = arith.addi %add3A_65, %add3A_1116 : vector<224x225xi32>
    %select_n3A_1118 = arith.select %and3A_1114, %add3A_1117, %add3A_76 : vector<224x225xi1>, vector<224x225xi32>
    %swap3A_1119 = arith.constant 24 : index
    %swap3A_1120 = arith.constant 0 : index
    %swap3A_1121 = arith.constant 0 : index
    %swap3A_1122 = vector.load %arg2[%swap3A_1119, %swap3A_1120, %swap3A_1121] : memref<27x224x225xi32, #tpu.memory_space<vmem>>, vector<1x224x225xi32>
    %swap3A_1123 = vector.shape_cast %swap3A_1122 : vector<1x224x225xi32> to vector<224x225xi32>
    %swap3A_1124 = vector.shape_cast %select_n3A_1118 : vector<224x225xi32> to vector<1x224x225xi32>
    tpu.vector_store %arg2[%swap3A_1119, %swap3A_1120, %swap3A_1121], %swap3A_1124 {strides = array<i32>} : memref<27x224x225xi32, #tpu.memory_space<vmem>>, vector<1x224x225xi32>,
    %add3A_1125 = arith.constant 1 : i32
    %add3A_1126 = vector.broadcast %add3A_1125 : i32 to vector<224x225xi32>
    %add3A_1127 = arith.addi %select_n3A, %add3A_1126 : vector<224x225xi32>
    %add3A_1128 = arith.constant 1 : i32
    %add3A_1129 = vector.broadcast %add3A_1128 : i32 to vector<224x225xi32>
    %add3A_1130 = arith.addi %select_n3A_56, %add3A_1129 : vector<224x225xi32>
    %add3A_1131 = arith.constant 0 : i32
    %add3A_1132 = vector.broadcast %add3A_1131 : i32 to vector<224x225xi32>
    %add3A_1133 = arith.addi %select_n3A_57, %add3A_1132 : vector<224x225xi32>
    %ge3A_1134 = arith.constant 0 : i32
    %ge3A_1135 = vector.broadcast %ge3A_1134 : i32 to vector<224x225xi32>
    %ge3A_1136 = arith.cmpi sge, %add3A_1127, %ge3A_1135 : vector<224x225xi32>
    %le3A_1137 = arith.constant 64 : i32
    %le3A_1138 = vector.broadcast %le3A_1137 : i32 to vector<224x225xi32>
    %le3A_1139 = arith.cmpi sle, %add3A_1127, %le3A_1138 : vector<224x225xi32>
    %and3A_1140 = arith.andi %ge3A_1136, %le3A_1139 : vector<224x225xi1>
    %ge3A_1141 = arith.constant 0 : i32
    %ge3A_1142 = vector.broadcast %ge3A_1141 : i32 to vector<224x225xi32>
    %ge3A_1143 = arith.cmpi sge, %add3A_1130, %ge3A_1142 : vector<224x225xi32>
    %and3A_1144 = arith.andi %and3A_1140, %ge3A_1143 : vector<224x225xi1>
    %le3A_1145 = arith.constant 64 : i32
    %le3A_1146 = vector.broadcast %le3A_1145 : i32 to vector<224x225xi32>
    %le3A_1147 = arith.cmpi sle, %add3A_1130, %le3A_1146 : vector<224x225xi32>
    %and3A_1148 = arith.andi %and3A_1144, %le3A_1147 : vector<224x225xi1>
    %ge3A_1149 = arith.constant 0 : i32
    %ge3A_1150 = vector.broadcast %ge3A_1149 : i32 to vector<224x225xi32>
    %ge3A_1151 = arith.cmpi sge, %add3A_1133, %ge3A_1150 : vector<224x225xi32>
    %and3A_1152 = arith.andi %and3A_1148, %ge3A_1151 : vector<224x225xi1>
    %le3A_1153 = arith.constant 64 : i32
    %le3A_1154 = vector.broadcast %le3A_1153 : i32 to vector<224x225xi32>
    %le3A_1155 = arith.cmpi sle, %add3A_1133, %le3A_1154 : vector<224x225xi32>
    %and3A_1156 = arith.andi %and3A_1152, %le3A_1155 : vector<224x225xi1>
    %add3A_1157 = arith.constant 4290 : i32
    %add3A_1158 = vector.broadcast %add3A_1157 : i32 to vector<224x225xi32>
    %add3A_1159 = arith.addi %add3A_65, %add3A_1158 : vector<224x225xi32>
    %select_n3A_1160 = arith.select %and3A_1156, %add3A_1159, %add3A_76 : vector<224x225xi1>, vector<224x225xi32>
    %swap3A_1161 = arith.constant 25 : index
    %swap3A_1162 = arith.constant 0 : index
    %swap3A_1163 = arith.constant 0 : index
    %swap3A_1164 = vector.load %arg2[%swap3A_1161, %swap3A_1162, %swap3A_1163] : memref<27x224x225xi32, #tpu.memory_space<vmem>>, vector<1x224x225xi32>
    %swap3A_1165 = vector.shape_cast %swap3A_1164 : vector<1x224x225xi32> to vector<224x225xi32>
    %swap3A_1166 = vector.shape_cast %select_n3A_1160 : vector<224x225xi32> to vector<1x224x225xi32>
    tpu.vector_store %arg2[%swap3A_1161, %swap3A_1162, %swap3A_1163], %swap3A_1166 {strides = array<i32>} : memref<27x224x225xi32, #tpu.memory_space<vmem>>, vector<1x224x225xi32>,
    %add3A_1167 = arith.constant 1 : i32
    %add3A_1168 = vector.broadcast %add3A_1167 : i32 to vector<224x225xi32>
    %add3A_1169 = arith.addi %select_n3A, %add3A_1168 : vector<224x225xi32>
    %add3A_1170 = arith.constant 1 : i32
    %add3A_1171 = vector.broadcast %add3A_1170 : i32 to vector<224x225xi32>
    %add3A_1172 = arith.addi %select_n3A_56, %add3A_1171 : vector<224x225xi32>
    %add3A_1173 = arith.constant 1 : i32
    %add3A_1174 = vector.broadcast %add3A_1173 : i32 to vector<224x225xi32>
    %add3A_1175 = arith.addi %select_n3A_57, %add3A_1174 : vector<224x225xi32>
    %ge3A_1176 = arith.constant 0 : i32
    %ge3A_1177 = vector.broadcast %ge3A_1176 : i32 to vector<224x225xi32>
    %ge3A_1178 = arith.cmpi sge, %add3A_1169, %ge3A_1177 : vector<224x225xi32>
    %le3A_1179 = arith.constant 64 : i32
    %le3A_1180 = vector.broadcast %le3A_1179 : i32 to vector<224x225xi32>
    %le3A_1181 = arith.cmpi sle, %add3A_1169, %le3A_1180 : vector<224x225xi32>
    %and3A_1182 = arith.andi %ge3A_1178, %le3A_1181 : vector<224x225xi1>
    %ge3A_1183 = arith.constant 0 : i32
    %ge3A_1184 = vector.broadcast %ge3A_1183 : i32 to vector<224x225xi32>
    %ge3A_1185 = arith.cmpi sge, %add3A_1172, %ge3A_1184 : vector<224x225xi32>
    %and3A_1186 = arith.andi %and3A_1182, %ge3A_1185 : vector<224x225xi1>
    %le3A_1187 = arith.constant 64 : i32
    %le3A_1188 = vector.broadcast %le3A_1187 : i32 to vector<224x225xi32>
    %le3A_1189 = arith.cmpi sle, %add3A_1172, %le3A_1188 : vector<224x225xi32>
    %and3A_1190 = arith.andi %and3A_1186, %le3A_1189 : vector<224x225xi1>
    %ge3A_1191 = arith.constant 0 : i32
    %ge3A_1192 = vector.broadcast %ge3A_1191 : i32 to vector<224x225xi32>
    %ge3A_1193 = arith.cmpi sge, %add3A_1175, %ge3A_1192 : vector<224x225xi32>
    %and3A_1194 = arith.andi %and3A_1190, %ge3A_1193 : vector<224x225xi1>
    %le3A_1195 = arith.constant 64 : i32
    %le3A_1196 = vector.broadcast %le3A_1195 : i32 to vector<224x225xi32>
    %le3A_1197 = arith.cmpi sle, %add3A_1175, %le3A_1196 : vector<224x225xi32>
    %and3A_1198 = arith.andi %and3A_1194, %le3A_1197 : vector<224x225xi1>
    %add3A_1199 = arith.constant 4291 : i32
    %add3A_1200 = vector.broadcast %add3A_1199 : i32 to vector<224x225xi32>
    %add3A_1201 = arith.addi %add3A_65, %add3A_1200 : vector<224x225xi32>
    %select_n3A_1202 = arith.select %and3A_1198, %add3A_1201, %add3A_76 : vector<224x225xi1>, vector<224x225xi32>
    %swap3A_1203 = arith.constant 26 : index
    %swap3A_1204 = arith.constant 0 : index
    %swap3A_1205 = arith.constant 0 : index
    %swap3A_1206 = vector.load %arg2[%swap3A_1203, %swap3A_1204, %swap3A_1205] : memref<27x224x225xi32, #tpu.memory_space<vmem>>, vector<1x224x225xi32>
    %swap3A_1207 = vector.shape_cast %swap3A_1206 : vector<1x224x225xi32> to vector<224x225xi32>
    %swap3A_1208 = vector.shape_cast %select_n3A_1202 : vector<224x225xi32> to vector<1x224x225xi32>
    tpu.vector_store %arg2[%swap3A_1203, %swap3A_1204, %swap3A_1205], %swap3A_1208 {strides = array<i32>} : memref<27x224x225xi32, #tpu.memory_space<vmem>>, vector<1x224x225xi32>,
    return
  }
}

module attributes {stable_mosaic.version = 14 : i64} {
  func.func @_tcd_body(%arg0: i32, %arg1: memref<512x3456xf32, #tpu.memory_space<vmem>>, %arg2: memref<3456x64xf32, #tpu.memory_space<vmem>>, %arg3: memref<512x64xf32, #tpu.memory_space<vmem>>) attributes {dimension_semantics = [#tpu.dimension_semantics<arbitrary>], iteration_bounds = array<i64: 99>, scalar_prefetch = 0 : i64, scratch_operands = 0 : i64, tpu.core_type = #tpu.core_type<tc>, window_params = [{transform_indices = @transform_0, window_bounds = array<i64: 512, 3456>}, {pipeline_mode = #tpu.pipeline_mode<synchronous>, transform_indices = @transform_1, window_bounds = array<i64: 3456, 64>}, {transform_indices = @transform_2, window_bounds = array<i64: 512, 64>}]} {
    %get3A = arith.constant 0 : index
    %get3A_0 = arith.constant 0 : index
    %get3A_1 = vector.load %arg1[%get3A, %get3A_0] : memref<512x3456xf32, #tpu.memory_space<vmem>>, vector<512x3456xf32>
    %get3A_2 = arith.constant 0 : index
    %get3A_3 = arith.constant 0 : index
    %get3A_4 = vector.load %arg2[%get3A_2, %get3A_3] : memref<3456x64xf32, #tpu.memory_space<vmem>>, vector<3456x64xf32>
    %dot_general3A = arith.constant dense<0.000000e+00> : vector<512x64xf32>
    %dot_general3A_5 = tpu.matmul %get3A_1, %get3A_4, %dot_general3A {dimension_numbers = #tpu.dot_dimension_numbers<[1], [0], [0], [1], [0, 0, 1, 1], [], []>, transpose_lhs_hint = false} : vector<512x3456xf32>, vector<3456x64xf32>, vector<512x64xf32> -> vector<512x64xf32>
    %swap3A = arith.constant 0 : index
    %swap3A_6 = arith.constant 0 : index
    %swap3A_7 = vector.load %arg3[%swap3A, %swap3A_6] : memref<512x64xf32, #tpu.memory_space<vmem>>, vector<512x64xf32>
    tpu.vector_store %arg3[%swap3A, %swap3A_6], %dot_general3A_5 {strides = array<i32>} : memref<512x64xf32, #tpu.memory_space<vmem>>, vector<512x64xf32>,
    return
  }
  func.func @transform_0(%arg0: i32) -> (i32, i32) {
    %c0_i32 = arith.constant 0 : i32
    %c0_i32_0 = arith.constant 0 : i32
    return %arg0, %c0_i32 : i32, i32
  }
  func.func @transform_1(%arg0: i32) -> (i32, i32) {
    %c0_i32 = arith.constant 0 : i32
    %c0_i32_0 = arith.constant 0 : i32
    %c0_i32_1 = arith.constant 0 : i32
    return %c0_i32, %c0_i32_0 : i32, i32
  }
  func.func @transform_2(%arg0: i32) -> (i32, i32) {
    %c0_i32 = arith.constant 0 : i32
    %c0_i32_0 = arith.constant 0 : i32
    return %arg0, %c0_i32 : i32, i32
  }
}

</mosaic_0001>

<sc_bundles>
// kernel: kernel.6.cloned.1.call-start
scs
__scs_entry_jumppad:
0x0: {  	(pc) =	sbr.rel $0x88, $3  }
0x1: {  	(tag) =	ssettag $0x0;
	lr =	simm.s32 $0x1  }
0x2: {  	[smem:$0x3F9E] =	sst lr;
	_ =	strace $0xD0000000  }
0x3: {  	_ = 	snop  }
0x4: {  	_ = 	snop  }
0x5: {  	_ = 	snop  }
0x6: {  	_ = 	snop  }
0x7: {  	_ = 	snop  }
__scs_overlays_trampoline_lowered:
0x8: {  	[smem:$0x3FAD] =	sst s0  }
0x9: {  	[smem:$0x3FAE] =	sst s1  }
0xa: {  	[smem:$0x3FAF] =	sst s2  }
0xb: {  	[smem:$0x3FB0] =	sst s3  }
0xc: {  	[smem:$0x3FB1] =	sst s4  }
0xd: {  	[smem:$0x3FB2] =	sst s5  }
0xe: {  	[smem:$0x3FB3] =	sst s6  }
0xf: {  	[smem:$0x3FB4] =	sst s7  }
0x10: {  	[smem:$0x3FB5] =	sst s8  }
0x11: {  	[smem:$0x3FB6] =	sst s9;
	s0 =	simm.s32 @!p0 $0x0  }
0x12: {  	s1 =	sld [smem:$0x3F9C];
	s0 =	simm.s32 @p0 $0x1  }
0x13: {  	[smem:$0x3FB7] =	sst s0;
	s0 =	simm.s32 @!p1 $0x0  }
0x14: {  	s2 =	sld [smem:$0x3F9B];
	s0 =	simm.s32 @p1 $0x1  }
0x15: {  	[smem:$0x3FB8] =	sst s0;
	s0 =	simm.s32 @!p2 $0x0  }
0x16: {  	s3 =	sld [smem:$0x3FDB];
	s0 =	simm.s32 @p2 $0x1  }
0x17: {  	s4 =	simm.s32 $0x1BF5;
	[smem:$0x3FBA] =	sst s0  }
0x18: {  	s0 =	sld [smem:$0x3F9D];
	_ =	swait.ge [sflag:s4], $0x0  }
0x19: {  	s7 =	sld [smem:$0x3F9E]  }
0x1a: {  	s8 =	sadd.s32 $0xFFFFE003, lr  }
0x1b: {  	s9 =	sadd.s32 $0xFFFFFEF7, lr;
	s5 =	simm.s32 $0xFFFFFFFF;
	p2 =	slt.u32 s8, $0xFFFFF086  }
0x1c: {  	p1 =	slt.u32 s9, $0xF7A;
	s5 =	simm.s32 @!p2 $0x0  }
0x1d: {  	s5 =	simm.s32 @p1 $0x1;
	p0 =	seq.s32 s7, s2  }
0x1e: {  	s7 =	smul.u32 @!p0 $0xF7A, s2;
	p2 =	seq.s32 @!p0 s5, $0x0  }
0x1f: {  	s9 =	smul.u32 $0xF7A, s1;
	s8 =	simm.s32 @!p0 $0x1BF5;
	p2 =	por !p2, p0  }
0x20: {  	[sflag:s8] =	ssyncset.s32 @!p0 $0xFFFFF086;
	s6 =	sadd.s32 @!p0 s3, s7;
	s7 =	simm.s32 @!p0 $0x108  }
0x21: {  	s3 =	sadd.s32 s3, s9;
	s6 =	sadd.s32 @!p0 $0x88, s6;
	s7 =	simm.s32 @p2 $0x1082  }
0x22: {  	[simem:s7], [sflag:s8] =	dma.local @!p0 [hbm:s6], $0xF7A  }
0x23: {  	s9 =	sor.u32 $0xD0000000, s2;
	s6 =	simm.s32 $0x108;
	_ =	swait.ge @!p0 [sflag:s8], $0x0  }
0x24: {  	s3 =	sadd.s32 $0x88, s3;
	s6 =	simm.s32 @!p1 $0x1082;
	[sflag:s4] =	ssyncset.s32 $0xFFFFF086  }
0x25: {  	[simem:s6], [sflag:s4] =	dma.local [hbm:s3], $0xF7A  }
0x26: {  	[smem:$0x3F9E] =	sst s1;
	(tag) =	ssettag s2;
	_ =	strace s9  }
0x27: {  	s1 =	sld [smem:$0x3FAE]  }
0x28: {  	s2 =	sld [smem:$0x3FAF]  }
0x29: {  	s4 =	sld [smem:$0x3FB1]  }
0x2a: {  	p0 =	seq.s32 s5, $0x0;
	s5 =	sld [smem:$0x3FB2]  }
0x2b: {  	s6 =	sld [smem:$0x3FB3]  }
0x2c: {  	s7 =	sld [smem:$0x3FB4]  }
0x2d: {  	s3 =	simm.s32 $0x108;
	s8 =	sld [smem:$0x3FB5]  }
0x2e: {  	s3 =	simm.s32 @!p0 $0x1082;
	s9 =	sld [smem:$0x3FB6]  }
0x2f: {  	lr =	sadd.s32 s0, s3;
	s0 =	sld [smem:$0x3FAD]  }
0x30: {  	s3 =	sld [smem:$0x3FB0]  }
0x31: {  	[smem:$0x3FB9] =	sst s10  }
0x32: {  	s10 =	sld [smem:$0x3FB7];
	_ =	sdelay $0x3  }
0x33: {  	p0 =	seq.s32 s10, $0x1;
	s10 =	sld [smem:$0x3FB9];
	_ =	sdelay $0x3  }
0x34: {  	[smem:$0x3FB9] =	sst s10  }
0x35: {  	s10 =	sld [smem:$0x3FB8];
	_ =	sdelay $0x3  }
0x36: {  	p1 =	seq.s32 s10, $0x1;
	s10 =	sld [smem:$0x3FB9];
	_ =	sdelay $0x3  }
0x37: {  	[smem:$0x3FB9] =	sst s10  }
0x38: {  	s10 =	sld [smem:$0x3FBA]  }
0x39: {  	_ = 	snop;
	(pc) =	sbr.ind lr, $3  }
0x3a: {  	_ = 	snop  }
0x3b: {  	_ = 	snop  }
0x3c: {  	p2 =	seq.s32 s10, $0x1;
	s10 =	sld [smem:$0x3FB9]  }
0x3d: {  	_ =	shalt  }
0x3e: {  	_ =	shalt  }
0x3f: {  	_ =	shalt  }
0x40: {  	_ =	shalt  }
0x41: {  	_ =	shalt  }
0x42: {  	_ =	shalt  }
0x43: {  	_ =	shalt  }
0x44: {  	_ =	shalt  }
0x45: {  	_ =	shalt  }
0x46: {  	_ =	shalt  }
0x47: {  	_ =	shalt  }
0x48: {  	_ =	shalt  }
0x49: {  	_ =	shalt  }
0x4a: {  	_ =	shalt  }
0x4b: {  	_ =	shalt  }
0x4c: {  	_ =	shalt  }
0x4d: {  	_ =	shalt  }
0x4e: {  	_ =	shalt  }
0x4f: {  	_ =	shalt  }
0x50: {  	_ =	shalt  }
0x51: {  	_ =	shalt  }
0x52: {  	_ =	shalt  }
0x53: {  	_ =	shalt  }
0x54: {  	_ =	shalt  }
0x55: {  	_ =	shalt  }
0x56: {  	_ =	shalt  }
0x57: {  	_ =	shalt  }
0x58: {  	_ =	shalt  }
0x59: {  	_ =	shalt  }
0x5a: {  	_ =	shalt  }
0x5b: {  	_ =	shalt  }
0x5c: {  	_ =	shalt  }
0x5d: {  	_ =	shalt  }
0x5e: {  	_ =	shalt  }
0x5f: {  	_ =	shalt  }
0x60: {  	_ =	shalt  }
0x61: {  	_ =	shalt  }
0x62: {  	_ =	shalt  }
0x63: {  	_ =	shalt  }
0x64: {  	_ =	shalt  }
0x65: {  	_ =	shalt  }
0x66: {  	_ =	shalt  }
0x67: {  	_ =	shalt  }
0x68: {  	_ =	shalt  }
0x69: {  	_ =	shalt  }
0x6a: {  	_ =	shalt  }
0x6b: {  	_ =	shalt  }
0x6c: {  	_ =	shalt  }
0x6d: {  	_ =	shalt  }
0x6e: {  	_ =	shalt  }
0x6f: {  	_ =	shalt  }
0x70: {  	_ =	shalt  }
0x71: {  	_ =	shalt  }
0x72: {  	_ =	shalt  }
0x73: {  	_ =	shalt  }
0x74: {  	_ =	shalt  }
0x75: {  	_ =	shalt  }
0x76: {  	_ =	shalt  }
0x77: {  	_ =	shalt  }
0x78: {  	_ =	shalt  }
0x79: {  	_ =	shalt  }
0x7a: {  	_ =	shalt  }
0x7b: {  	_ =	shalt  }
0x7c: {  	_ =	shalt  }
0x7d: {  	_ =	shalt  }
0x7e: {  	_ =	shalt  }
0x7f: {  	_ =	shalt  }
0x80: {  	_ =	shalt  }
0x81: {  	_ =	shalt  }
0x82: {  	_ =	shalt  }
0x83: {  	_ =	shalt  }
0x84: {  	_ =	shalt  }
0x85: {  	_ =	shalt  }
0x86: {  	_ =	shalt  }
0x87: {  	_ =	shalt  }
.Lfunc_end0:
.L_simem_size_0:
called_computation_lowered:
.L_overlay_start_0:
0x88: {  	s2 =	sld [smem:$0x3FD9]  }
0x89: {  	s3 =	sld [smem:$0x3FFE];
	_ =	sdelay $0x1  }
0x8a: {  	s1 =	srdreg.scid  }
0x8b: {  	s0 =	sand.u32 $0x1, s1  }
0x8c: {  	s16 =	sshll.u32 s0, $0xA;
	s2 =	sadd.s32 s3, s2  }
0x8d: {  	s2 =	sadd.s32 s2, s16  }
0x8e: {  	[smem:$0x3FC5] =	sst s2  }
0x8f: {  	_ = 	snop  }
0x90: {  	(tm) =	ssettm $0x1  }
0x91: {  	s17 =	sld [smem:$0x3FFB];
	_ =	sdelay $0x3  }
0x92: {  	_ =	strace s17  }
0x93: {  	s2 =	sld [smem:$0x3FFC];
	_ =	sdelay $0x3  }
0x94: {  	_ =	strace s2  }
0x95: {  	s2 =	sld [smem:$0x3FFD];
	_ =	sdelay $0x3  }
0x96: {  	_ =	strace s2  }
0x97: {  	_ =	strace $0x8FFFFFFF  }
0x98: {  	s18 =	sld [smem:$0x3FDB];
	_ =	sdelay $0x1  }
0x99: {  	s19 =	simm.s32 $_scs_section_size  }
0x9a: {  	s4 =	simm.s32 $_size__tile_overlayer_lowered;
	s5 =	simm.s32 $_tile_overlayer_lowered  }
0x9b: {  	s22 =	simm.s32 $0x1BFF;
	s21 =	sshll.u32 s5, $0x1;
	s2 =	sadd.s32 s19, s18  }
0x9c: {  	s6 =	simm.s32 $0x0;
	s20 =	sshll.u32 s4, $0x1;
	s4 =	sadd.s32 s21, s2  }
0x9d: {  	[timem:s6], [sflag:s22] =	dma.local [hbm:s4], s20  }
0x9e: {  	_ =	swait.ge [sflag:s22], s20  }
0x9f: {  	s3 =	ssub.s32 $0x0, s20;
	[sflag:s22] =	ssyncset.done $0x0  }
0xa0: {  	[sflag:s22] =	ssyncadd.s32 s3;
	_ =	sdelay $0x1  }
0xa1: {  	s23 =	simm.s32 $0x1B8B  }
0xa2: {  	_ =	swait.ge [sflag:s23], $0x1  }
0xa3: {  	[sflag:s23] =	ssyncset.done $0x0  }
0xa4: {  	s25 =	simm.s32 $0x1B8E;
	s24 =	sld [smem:$0x3FFE];
	[sflag:s23] =	ssyncadd.s32 $0xFFFFFFFF  }
0xa5: {  	s26 =	simm.s32 $execute0_lowered;
	[smem:$0x3FD2] =	sst s25  }
0xa6: {  	s4 =	sshll.u32 s26, $0x1;
	_ =	strace $0x80000046;
	[dreg:$0x1] =	wrdreg $0xFFFFFFFF  }
0xa7: {  	s28 =	simm.s32 $_size_execute0_lowered;
	s2 =	sadd.s32 s2, s4;
	[dreg:$0x0] =	wrdreg $0x0  }
0xa8: {  	s4 =	sshll.u32 s28, $0x1;
	[dreg:$0x2] =	wrdreg s2  }
0xa9: {  	[dreg:$0x3] =	wrdreg s4  }
0xaa: {  	[dreg:$0x4] =	wrdreg $0xC0  }
0xab: {  	_ =	task [dreg:s6], $0x5FFFF  }
0xac: {  	[dreg:$0x1] =	wrdreg $0xFFFFFFFF  }
0xad: {  	[dreg:$0x0] =	wrdreg $0x60  }
0xae: {  	[dreg:$0x2] =	wrdreg s24  }
0xaf: {  	[dreg:$0x3] =	wrdreg $0x9  }
0xb0: {  	_ =	task.clear_ibuf [dreg:s6], $0x4FFFF;
	_ =	strace $0x90000046  }
0xb1: {  	s29 =	simm.s32 $0x9;
	_ =	strace $0x80000048  }
0xb2: {  	_ =	swait.ge [sflag:s29], $0x1  }
0xb3: {  	[sflag:s29] =	ssyncadd.s32 $0xFFFFFFFF  }
0xb4: {  	_ =	strace $0x90000048  }
0xb5: {  	_ =	sfence  }
0xb6: {  	s30 =	sld [smem:$0x0];
	_ =	sdelay $0x2  }
0xb7: {  	s31 =	sshll.u32 s1, $0xD;
	s1 =	sshrl.u32 s1, $0x2  }
0xb8: {  	s3 =	sand.u32 $0x4000, s31;
	s1 =	sadd.s32 s1, s30  }
0xb9: {  	s0 =	sor.u32 s3, s0;
	s1 =	sshll.u32 s1, $0x11  }
0xba: {  	s0 =	sor.u32 s1, s0  }
0xbb: {  	s0 =	sadd.s32 $0x8F2B, s0  }
0xbc: {  	[sflag:s0] =	ssyncadd.remote.s32 $0x1  }
0xbd: {  	_ =	sfence.sel $0xFFFF  }
0xbe: {  	[dreg:$0x0] =	wrdreg $0xFFFFFFFF;
	(pc) =	sbr.abs _section_cstart, $3  }
0xbf: {  	[dreg:$0x1] =	wrdreg $0xFFFFFFFF  }
0xc0: {  	_ =	task.clear_ibuf [dreg:s6], $0x2FFFF;
	_ =	strace $0x9FFFFFFF  }
0xc1: {  	(tm) =	ssettm $0x7FFFFFFF  }
tec
execute0_lowered:
.L_overlay_start_1:
0x0: {  	(tag) =	ssettag $0x1  }
0x1: {  	v0 =	vimm.s32 $0x8040201;
	v1 =	vimm.s32 $0x80402010  }
0x2: {  	v0 =	vunpack.c.0.s8.s32 v0;
	v1 =	vunpack.c.0.s8.s32 v1  }
0x3: {  	vm0 =	vcmask $0xF00  }
0x4: {  	vm8 =	vcmask $0x1F10;
	v0 =	vnsel vm0, $0x8000, v0;
	v1 =	vand.u32 $0xFF, v1  }
0x5: {  	s1 =	srdreg.scid;
	s0 =	stileid.u32;
	vm9 =	vcmask $0x2320;
	v0 =	vsel vm8, v1, v0  }
0x6: {  	s4 =	rddreg [dreg:$0x0];
	vm10 =	vcmask $0x2724;
	s3 =	sand.u32 $0x1, s1;
	s30 =	sshll.u32 s0, $0x1;
	v0 =	vsel vm9, $0x100, v0  }
0x7: {  	s2 =	simm.s32 $0x0;
	vm11 =	vcmask $0x2B28;
	s1 =	rddreg [dreg:$0x1];
	s5 =	sor.u32 s3, s30;
	v0 =	vsel vm10, $0x200, v0  }
0x8: {  	vm12 =	vcmask $0x2F2C;
	[smem:$0x7FF] =	sst s2;
	s6 =	ssub.s32 $0x2, s3;
	s5 =	smul.u32 $0x21C0, s5;
	v0 =	vsel vm11, $0x400, v0  }
0x9: {  	vm13 =	vcmask $0x3330;
	_ =	strace $0x80000047;
	s3 =	sadd.s32 $0xC00, s4;
	s8 =	sshrl.u32 s6, $0x1;
	v0 =	vsel vm12, $0x800, v0  }
0xa: {  	vm14 =	vcmask $0x3734;
	s6 =	ssub.s32 s6, s8;
	s8 =	simm.s32 $0x0;
	s7 =	sshrl.u32 s5, $0x3;
	v1 =	vsel vm13, $0x1000, v0  }
0xb: {  	vm15 =	vcmask $0x3B38;
	v2 =	vimm.s32 $0xFFFFFFFF;
	s31 =	sadd.s32 $0x21C0, s5;
	s4 =	sadd.s32 s7, s4;
	s7 =	simm.s32 $0xC600;
	v3 =	vsel vm14, $0x2000, v1  }
0xc: {  	s4 =	sadd.s32 $0x2600, s4;
	v0 =	vmov s5;
	s5 =	smax.u32 s6, $0x1;
	s6 =	simm.s32 $0x1;
	v1 =	vmov s31;
	v3 =	vsel vm15, $0x4000, v3  }
.LBB2_1:
0xd: {  	[tilespmem:s2], [sflag:$0x1] =	stream.linear.gather [hbm4b:s3+s2], $0xC600, $0x38;
	[tilespmem:$0xE800] =	vst v63  }
0xe: {  	_ =	swait.ge [sflag:s6], $0xC600  }
0xf: {  	[sflag:s6] =	ssyncset.done $0x0  }
0x10: {  	s9 =	simm.s32 $0x40;
	s10 =	simm.s32 $0x0;
	[sflag:s6] =	ssyncadd.s32 $0xFFFF3A00  }
.LBB2_2:
0x11: {  	p0 =	sne.s32 s9, $0x86C0;
	[tilespmem:s10+$0xC600] =	vst v2;
	s10 =	smov.u32 s9;
	s9 =	sadd.s32 $0x40, s9  }
.Ltmp0:
0x12: {  	(pc) =	sbr.rel @p0 .LBB2_2-.Ltmp0, $2  }
0x13: {  	_ =	sdelay $0x2  }
0x14: {  	s10 =	sshra.s32 s10, $0x2  }
0x15: {  	[tilespmem:s10+$0xC600] =	vst v2;
	s9 =	simm.s32 $0x0  }
0x16: {  	v4 =	vld [tilespmem:s9+$0x0]  }
0x17: {  	s10 =	simm.s32 $0x10000;
	s11 =	simm.s32 $0x0  }
.LBB2_4:
0x18: {  	p0 =	sne.s32 s10, $0xC5F0000;
	_ =	sdelay $0x2  }
0x19: {  	vm0 =	vge.s32 v4, v0;
	vm1 =	vlt.s32 v4, v1  }
0x1a: {  	v4 =	vsub.s32 v4, v0;
	vm0 =	vmand vm0, vm1  }
0x1b: {  	v4 =	vnsel vm0, $0x0, v4;
	_ =	sdelay $0x3  }
.Ltmp1:
0x1c: {  	v5 =	vmov s9;
	s9 =	smov.u32 s10;
	(pc) =	sbr.rel @p0 .LBB2_4-.Ltmp1, $4  }
0x1d: {  	[tilespmem:v4+s7+$0x0] =	vst.idx.msk vm0, v5  }
0x1e: {  	s11 =	sadd.s32 $0x10, s11;
	[tilespmem:v4+s7+$0x0] =	vst.idx.add.s32.msk vm0, v3  }
0x1f: {  	v4 =	vld [tilespmem:s11+$0x0]  }
0x20: {  	s10 =	sadd.s32 $0x10000, s10  }
0x21: {  	_ =	sdelay $0x2  }
0x22: {  	vm0 =	vge.s32 v4, v0;
	vm1 =	vlt.s32 v4, v1  }
0x23: {  	v4 =	vsub.s32 v4, v0;
	vm0 =	vmand vm0, vm1  }
0x24: {  	v4 =	vnsel vm0, $0x0, v4;
	_ =	sdelay $0x3  }
0x25: {  	v5 =	vmov s9  }
0x26: {  	[tilespmem:v4+s7+$0x0] =	vst.idx.msk vm0, v5  }
0x27: {  	s9 =	simm.s32 $0x0;
	s10 =	simm.s32 $0x40;
	[tilespmem:v4+s7+$0x0] =	vst.idx.add.s32.msk vm0, v3  }
.LBB2_6:
0x28: {  	p0 =	sne.s32 s10, $0x86C0;
	v4 =	vld [tilespmem:s9+$0xC600];
	_ =	sdelay $0x4  }
0x29: {  	v5 =	vand.u32 $0xFFFF, v4  }
0x2a: {  	v5 =	vcvt.s32.f32 v5  }
0x2b: {  	v6 =	vshrl.u32 v4, $0xC  }
.Ltmp2:
0x2c: {  	v6 =	vand.u32 $0xFFFF0, v6;
	v5 =	vshrl.u32 v5, $0x17;
	(pc) =	sbr.rel @p0 .LBB2_6-.Ltmp2, $4  }
0x2d: {  	v5 =	vadd.s32 v5, v6  }
0x2e: {  	vm0 =	vlt.s32 v4, $0x0;
	v5 =	vadd.s32 $0xFFFFFF81, v5  }
0x2f: {  	v4 =	vsel vm0, v4, v5  }
0x30: {  	[tilespmem:s9+$0xC600] =	vst v4;
	s9 =	sshra.s32 s10, $0x2;
	s10 =	sadd.s32 $0x40, s10  }
0x31: {  	v4 =	vld [tilespmem:s9+$0xC600];
	_ =	sdelay $0x4  }
0x32: {  	v5 =	vand.u32 $0xFFFF, v4  }
0x33: {  	v5 =	vcvt.s32.f32 v5  }
0x34: {  	v6 =	vshrl.u32 v4, $0xC  }
0x35: {  	v6 =	vand.u32 $0xFFFF0, v6;
	v5 =	vshrl.u32 v5, $0x17  }
0x36: {  	v5 =	vadd.s32 v5, v6  }
0x37: {  	s8 =	sadd.s32 $0x1, s8;
	vm0 =	vlt.s32 v4, $0x0;
	v5 =	vadd.s32 $0xFFFFFF81, v5  }
0x38: {  	p0 =	sne.s32 s8, s5;
	v4 =	vsel vm0, v4, v5  }
.Ltmp3:
0x39: {  	[tilespmem:s9+$0xC600] =	vst v4;
	(pc) =	sbr.rel @p0 .LBB2_1-.Ltmp3, $4  }
0x3a: {  	[hbm4b:s4+s2] =	stream.linear.scatter [tilespmem:s7], [sflag:$0x1], $0x21C0, $0x38;
	[tilespmem:$0xE800] =	vst v63  }
0x3b: {  	_ =	swait.ge [sflag:s6], $0x21C0  }
0x3c: {  	[sflag:s6] =	ssyncset.done $0x0  }
0x3d: {  	[sflag:s6] =	ssyncadd.s32 $0xFFFFDE40  }
0x3e: {  	_ =	sfence.sel $0x180000  }
0x3f: {  	[bflag:$0x0] =	sbarrier.arrive $0xFFFF  }
0x40: {  	p0 =	sne.s32 s0, $0x0;
	_ =	strace $0x90000047  }
0x41: {  	s0 =	sadd.s32 @!p0 $0x100000, s1;
	[bflag:$0x2] =	sbarrier.arrive $0xFFFF  }
0x42: {  	[sflag:s0] =	ssyncadd.tile.s32 @!p0 $0x1;
	_ =	shalt  }
.Lfunc_end2:
_tile_overlayer_lowered:
.L_overlay_start_2:
0x43: {  	(tag) =	ssettag $0x2  }
0x44: {  	s0 =	rddreg [dreg:$0x0];
	s2 =	stileid.u32  }
0x45: {  	s1 =	rddreg [dreg:$0x1];
	p0 =	sne.s32 s2, $0x0  }
0x46: {  	s3 =	rddreg [dreg:$0x2];
	[bflag:$0x3] =	sbarrier.arrive $0xFFFF;
	s2 =	simm.s32 @!p0 $0x1C01  }
0x47: {  	[timem:s3], [sflag:s2] =	dma.local @!p0 [hbm:s0], s1  }
0x48: {  	s0 =	simm.s32 @!p0 $0x1  }
0x49: {  	_ =	swait.ge @!p0 [sflag:s0], s1  }
0x4a: {  	s1 =	ssub.s32 @!p0 $0x0, s1;
	[sflag:s0] =	ssyncset.done @!p0 $0x0  }
0x4b: {  	[sflag:s0] =	ssyncadd.s32 @!p0 s1  }
0x4c: {  	[bflag:$0x3] =	sbarrier.arrive $0xFFFF  }
0x4d: {  	_ =	shalt  }

// kernel: kernel.9.cloned.1.call-start
scs
__scs_entry_jumppad:
0x0: {  	(pc) =	sbr.rel $0x88, $3  }
0x1: {  	(tag) =	ssettag $0x0;
	lr =	simm.s32 $0x1  }
0x2: {  	[smem:$0x3F9E] =	sst lr;
	_ =	strace $0xD0000000  }
0x3: {  	_ = 	snop  }
0x4: {  	_ = 	snop  }
0x5: {  	_ = 	snop  }
0x6: {  	_ = 	snop  }
0x7: {  	_ = 	snop  }
__scs_overlays_trampoline_lowered:
0x8: {  	[smem:$0x3FAD] =	sst s0  }
0x9: {  	[smem:$0x3FAE] =	sst s1  }
0xa: {  	[smem:$0x3FAF] =	sst s2  }
0xb: {  	[smem:$0x3FB0] =	sst s3  }
0xc: {  	[smem:$0x3FB1] =	sst s4  }
0xd: {  	[smem:$0x3FB2] =	sst s5  }
0xe: {  	[smem:$0x3FB3] =	sst s6  }
0xf: {  	[smem:$0x3FB4] =	sst s7  }
0x10: {  	[smem:$0x3FB5] =	sst s8  }
0x11: {  	[smem:$0x3FB6] =	sst s9;
	s0 =	simm.s32 @!p0 $0x0  }
0x12: {  	s1 =	sld [smem:$0x3F9C];
	s0 =	simm.s32 @p0 $0x1  }
0x13: {  	[smem:$0x3FB7] =	sst s0;
	s0 =	simm.s32 @!p1 $0x0  }
0x14: {  	s2 =	sld [smem:$0x3F9B];
	s0 =	simm.s32 @p1 $0x1  }
0x15: {  	[smem:$0x3FB8] =	sst s0;
	s0 =	simm.s32 @!p2 $0x0  }
0x16: {  	s3 =	sld [smem:$0x3FDB];
	s0 =	simm.s32 @p2 $0x1  }
0x17: {  	s4 =	simm.s32 $0x1BF5;
	[smem:$0x3FBA] =	sst s0  }
0x18: {  	s0 =	sld [smem:$0x3F9D];
	_ =	swait.ge [sflag:s4], $0x0  }
0x19: {  	s7 =	sld [smem:$0x3F9E]  }
0x1a: {  	s8 =	sadd.s32 $0xFFFFE003, lr  }
0x1b: {  	s9 =	sadd.s32 $0xFFFFFEF7, lr;
	s5 =	simm.s32 $0xFFFFFFFF;
	p2 =	slt.u32 s8, $0xFFFFF086  }
0x1c: {  	p1 =	slt.u32 s9, $0xF7A;
	s5 =	simm.s32 @!p2 $0x0  }
0x1d: {  	s5 =	simm.s32 @p1 $0x1;
	p0 =	seq.s32 s7, s2  }
0x1e: {  	s7 =	smul.u32 @!p0 $0xF7A, s2;
	p2 =	seq.s32 @!p0 s5, $0x0  }
0x1f: {  	s9 =	smul.u32 $0xF7A, s1;
	s8 =	simm.s32 @!p0 $0x1BF5;
	p2 =	por !p2, p0  }
0x20: {  	[sflag:s8] =	ssyncset.s32 @!p0 $0xFFFFF086;
	s6 =	sadd.s32 @!p0 s3, s7;
	s7 =	simm.s32 @!p0 $0x108  }
0x21: {  	s3 =	sadd.s32 s3, s9;
	s6 =	sadd.s32 @!p0 $0x88, s6;
	s7 =	simm.s32 @p2 $0x1082  }
0x22: {  	[simem:s7], [sflag:s8] =	dma.local @!p0 [hbm:s6], $0xF7A  }
0x23: {  	s9 =	sor.u32 $0xD0000000, s2;
	s6 =	simm.s32 $0x108;
	_ =	swait.ge @!p0 [sflag:s8], $0x0  }
0x24: {  	s3 =	sadd.s32 $0x88, s3;
	s6 =	simm.s32 @!p1 $0x1082;
	[sflag:s4] =	ssyncset.s32 $0xFFFFF086  }
0x25: {  	[simem:s6], [sflag:s4] =	dma.local [hbm:s3], $0xF7A  }
0x26: {  	[smem:$0x3F9E] =	sst s1;
	(tag) =	ssettag s2;
	_ =	strace s9  }
0x27: {  	s1 =	sld [smem:$0x3FAE]  }
0x28: {  	s2 =	sld [smem:$0x3FAF]  }
0x29: {  	s4 =	sld [smem:$0x3FB1]  }
0x2a: {  	p0 =	seq.s32 s5, $0x0;
	s5 =	sld [smem:$0x3FB2]  }
0x2b: {  	s6 =	sld [smem:$0x3FB3]  }
0x2c: {  	s7 =	sld [smem:$0x3FB4]  }
0x2d: {  	s3 =	simm.s32 $0x108;
	s8 =	sld [smem:$0x3FB5]  }
0x2e: {  	s3 =	simm.s32 @!p0 $0x1082;
	s9 =	sld [smem:$0x3FB6]  }
0x2f: {  	lr =	sadd.s32 s0, s3;
	s0 =	sld [smem:$0x3FAD]  }
0x30: {  	s3 =	sld [smem:$0x3FB0]  }
0x31: {  	[smem:$0x3FB9] =	sst s10  }
0x32: {  	s10 =	sld [smem:$0x3FB7];
	_ =	sdelay $0x3  }
0x33: {  	p0 =	seq.s32 s10, $0x1;
	s10 =	sld [smem:$0x3FB9];
	_ =	sdelay $0x3  }
0x34: {  	[smem:$0x3FB9] =	sst s10  }
0x35: {  	s10 =	sld [smem:$0x3FB8];
	_ =	sdelay $0x3  }
0x36: {  	p1 =	seq.s32 s10, $0x1;
	s10 =	sld [smem:$0x3FB9];
	_ =	sdelay $0x3  }
0x37: {  	[smem:$0x3FB9] =	sst s10  }
0x38: {  	s10 =	sld [smem:$0x3FBA]  }
0x39: {  	_ = 	snop;
	(pc) =	sbr.ind lr, $3  }
0x3a: {  	_ = 	snop  }
0x3b: {  	_ = 	snop  }
0x3c: {  	p2 =	seq.s32 s10, $0x1;
	s10 =	sld [smem:$0x3FB9]  }
0x3d: {  	_ =	shalt  }
0x3e: {  	_ =	shalt  }
0x3f: {  	_ =	shalt  }
0x40: {  	_ =	shalt  }
0x41: {  	_ =	shalt  }
0x42: {  	_ =	shalt  }
0x43: {  	_ =	shalt  }
0x44: {  	_ =	shalt  }
0x45: {  	_ =	shalt  }
0x46: {  	_ =	shalt  }
0x47: {  	_ =	shalt  }
0x48: {  	_ =	shalt  }
0x49: {  	_ =	shalt  }
0x4a: {  	_ =	shalt  }
0x4b: {  	_ =	shalt  }
0x4c: {  	_ =	shalt  }
0x4d: {  	_ =	shalt  }
0x4e: {  	_ =	shalt  }
0x4f: {  	_ =	shalt  }
0x50: {  	_ =	shalt  }
0x51: {  	_ =	shalt  }
0x52: {  	_ =	shalt  }
0x53: {  	_ =	shalt  }
0x54: {  	_ =	shalt  }
0x55: {  	_ =	shalt  }
0x56: {  	_ =	shalt  }
0x57: {  	_ =	shalt  }
0x58: {  	_ =	shalt  }
0x59: {  	_ =	shalt  }
0x5a: {  	_ =	shalt  }
0x5b: {  	_ =	shalt  }
0x5c: {  	_ =	shalt  }
0x5d: {  	_ =	shalt  }
0x5e: {  	_ =	shalt  }
0x5f: {  	_ =	shalt  }
0x60: {  	_ =	shalt  }
0x61: {  	_ =	shalt  }
0x62: {  	_ =	shalt  }
0x63: {  	_ =	shalt  }
0x64: {  	_ =	shalt  }
0x65: {  	_ =	shalt  }
0x66: {  	_ =	shalt  }
0x67: {  	_ =	shalt  }
0x68: {  	_ =	shalt  }
0x69: {  	_ =	shalt  }
0x6a: {  	_ =	shalt  }
0x6b: {  	_ =	shalt  }
0x6c: {  	_ =	shalt  }
0x6d: {  	_ =	shalt  }
0x6e: {  	_ =	shalt  }
0x6f: {  	_ =	shalt  }
0x70: {  	_ =	shalt  }
0x71: {  	_ =	shalt  }
0x72: {  	_ =	shalt  }
0x73: {  	_ =	shalt  }
0x74: {  	_ =	shalt  }
0x75: {  	_ =	shalt  }
0x76: {  	_ =	shalt  }
0x77: {  	_ =	shalt  }
0x78: {  	_ =	shalt  }
0x79: {  	_ =	shalt  }
0x7a: {  	_ =	shalt  }
0x7b: {  	_ =	shalt  }
0x7c: {  	_ =	shalt  }
0x7d: {  	_ =	shalt  }
0x7e: {  	_ =	shalt  }
0x7f: {  	_ =	shalt  }
0x80: {  	_ =	shalt  }
0x81: {  	_ =	shalt  }
0x82: {  	_ =	shalt  }
0x83: {  	_ =	shalt  }
0x84: {  	_ =	shalt  }
0x85: {  	_ =	shalt  }
0x86: {  	_ =	shalt  }
0x87: {  	_ =	shalt  }
.Lfunc_end0:
.L_simem_size_0:
called_computation.1_lowered:
.L_overlay_start_0:
0x88: {  	s2 =	sld [smem:$0x3FD9]  }
0x89: {  	s3 =	sld [smem:$0x3FFE];
	_ =	sdelay $0x1  }
0x8a: {  	s1 =	srdreg.scid  }
0x8b: {  	s0 =	sand.u32 $0x1, s1  }
0x8c: {  	s17 =	sshll.u32 s0, $0xA;
	s2 =	sadd.s32 s3, s2  }
0x8d: {  	s2 =	sadd.s32 s2, s17  }
0x8e: {  	[smem:$0x3FC5] =	sst s2  }
0x8f: {  	_ = 	snop  }
0x90: {  	s2 =	sld [smem:$0x3FD0];
	(tm) =	ssettm $0x1  }
0x91: {  	s18 =	sld [smem:$0x3FFB];
	_ =	sdelay $0x3  }
0x92: {  	_ =	strace s18  }
0x93: {  	s3 =	sld [smem:$0x3FFC];
	_ =	sdelay $0x3  }
0x94: {  	_ =	strace s3  }
0x95: {  	s3 =	sld [smem:$0x3FFD];
	_ =	sdelay $0x3  }
0x96: {  	_ =	strace s3  }
0x97: {  	_ =	strace $0x8FFFFFFF  }
0x98: {  	s19 =	sld [smem:$0x3FDB];
	_ =	sdelay $0x1  }
0x99: {  	s4 =	simm.s32 $_scs_section_size  }
0x9a: {  	s5 =	simm.s32 $_size__tile_overlayer_lowered;
	s6 =	simm.s32 $_tile_overlayer_lowered  }
0x9b: {  	s22 =	simm.s32 $0x1BFF;
	s21 =	sshll.u32 s6, $0x1;
	s3 =	sadd.s32 s4, s19  }
0x9c: {  	s7 =	simm.s32 $0x0;
	s20 =	sshll.u32 s5, $0x1;
	s5 =	sadd.s32 s21, s3  }
0x9d: {  	[timem:s7], [sflag:s22] =	dma.local [hbm:s5], s20  }
0x9e: {  	_ =	swait.ge [sflag:s22], s20  }
0x9f: {  	s4 =	ssub.s32 $0x0, s20;
	[sflag:s22] =	ssyncset.done $0x0  }
0xa0: {  	[sflag:s22] =	ssyncadd.s32 s4;
	_ =	sdelay $0x1  }
0xa1: {  	s23 =	simm.s32 $0x1B8B  }
0xa2: {  	_ =	swait.ge [sflag:s23], $0x1  }
0xa3: {  	[sflag:s23] =	ssyncset.done $0x0  }
0xa4: {  	s25 =	simm.s32 $0x1B8E;
	s24 =	sld [smem:$0x3FFE];
	[sflag:s23] =	ssyncadd.s32 $0xFFFFFFFF  }
0xa5: {  	s26 =	simm.s32 $execute0_lowered;
	[smem:$0x3FD2] =	sst s25  }
0xa6: {  	s5 =	sshll.u32 s26, $0x1;
	_ =	strace $0x80000049;
	[dreg:$0x1] =	wrdreg $0xFFFFFFFF  }
0xa7: {  	s28 =	simm.s32 $_size_execute0_lowered;
	s3 =	sadd.s32 s3, s5;
	[dreg:$0x0] =	wrdreg $0x0  }
0xa8: {  	s5 =	sshll.u32 s28, $0x1;
	[dreg:$0x2] =	wrdreg s3  }
0xa9: {  	[dreg:$0x3] =	wrdreg s5  }
0xaa: {  	[dreg:$0x4] =	wrdreg $0xC0  }
0xab: {  	_ =	task [dreg:s7], $0x5FFFF  }
0xac: {  	[dreg:$0x1] =	wrdreg $0xFFFFFFFF  }
0xad: {  	[dreg:$0x0] =	wrdreg $0x60  }
0xae: {  	[dreg:$0x2] =	wrdreg s2  }
0xaf: {  	[dreg:$0x3] =	wrdreg s24  }
0xb0: {  	[dreg:$0x4] =	wrdreg $0x9  }
0xb1: {  	_ =	task.clear_ibuf [dreg:s7], $0x5FFFF;
	_ =	strace $0x90000049  }
0xb2: {  	s29 =	simm.s32 $0x9;
	_ =	strace $0x8000004B  }
0xb3: {  	_ =	swait.ge [sflag:s29], $0x1  }
0xb4: {  	[sflag:s29] =	ssyncadd.s32 $0xFFFFFFFF  }
0xb5: {  	_ =	strace $0x9000004B  }
0xb6: {  	_ =	sfence  }
0xb7: {  	s30 =	sld [smem:$0x0];
	_ =	sdelay $0x2  }
0xb8: {  	s31 =	sshll.u32 s1, $0xD;
	s1 =	sshrl.u32 s1, $0x2  }
0xb9: {  	s3 =	sand.u32 $0x4000, s31;
	s1 =	sadd.s32 s1, s30  }
0xba: {  	s0 =	sor.u32 s3, s0;
	s1 =	sshll.u32 s1, $0x11  }
0xbb: {  	s0 =	sor.u32 s1, s0  }
0xbc: {  	s0 =	sadd.s32 $0x8F2B, s0  }
0xbd: {  	[sflag:s0] =	ssyncadd.remote.s32 $0x1  }
0xbe: {  	_ =	sfence.sel $0xFFFF  }
0xbf: {  	[dreg:$0x0] =	wrdreg $0xFFFFFFFF;
	(pc) =	sbr.abs _section_cstart, $3  }
0xc0: {  	[dreg:$0x1] =	wrdreg $0xFFFFFFFF  }
0xc1: {  	_ =	task.clear_ibuf [dreg:s7], $0x2FFFF;
	_ =	strace $0x9FFFFFFF  }
0xc2: {  	(tm) =	ssettm $0x7FFFFFFF  }
0xc3: {  	_ =	shalt  }
tec
execute0_lowered:
.L_overlay_start_1:
0x0: {  	(tag) =	ssettag $0x1  }
0x1: {  	s1 =	rddreg [dreg:$0x0]  }
0x2: {  	s4 =	rddreg [dreg:$0x1]  }
0x3: {  	s0 =	rddreg [dreg:$0x2]  }
0x4: {  	s2 =	simm.s32 $0x0;
	s3 =	srdreg.scid;
	s10 =	simm.s32 $0x6  }
0x5: {  	s11 =	simm.s32 $0x1;
	s12 =	simm.s32 $0x180;
	s13 =	simm.s32 $0x480  }
0x6: {  	s14 =	simm.s32 $0x2;
	s15 =	simm.s32 $0x400;
	s16 =	simm.s32 $0x6C00  }
0x7: {  	s17 =	simm.s32 $0x300;
	s18 =	simm.s32 $0xC480;
	s19 =	simm.s32 $0x3  }
0x8: {  	s20 =	simm.s32 $0x4;
	s21 =	simm.s32 $0x5;
	s3 =	sand.u32 $0x1, s3  }
0x9: {  	s22 =	simm.s32 $0x0;
	[smem:$0x7FF] =	sst s2;
	s8 =	ssub.s32 $0x2, s3  }
0xa: {  	s5 =	sadd.s32 $0x2600, s4;
	s6 =	sadd.s32 $0xAE00, s4;
	s9 =	sshrl.u32 s8, $0x1  }
0xb: {  	s7 =	sadd.s32 $0xD1C00, s4;
	s4 =	stileid.u32;
	s9 =	ssub.s32 s8, s9  }
0xc: {  	v0 =	vlaneseq.u32;
	_ =	strace $0x8000004A;
	s8 =	sshll.u32 s4, $0x1;
	s9 =	smax.u32 s9, $0x1  }
.LBB2_1:
0xd: {  	s23 =	simm.s32 $0x0  }
.LBB2_2:
0xe: {  	s24 =	sshll.u32 s23, $0x6  }
0xf: {  	s25 =	sor.u32 s24, s8  }
0x10: {  	s24 =	sor.u32 s3, s25  }
0x11: {  	s26 =	smul.u32 $0x30, s24;
	_ =	sdelay $0x1  }
0x12: {  	s26 =	sadd.s32 s1, s26  }
0x13: {  	[tilespmem:s2], [sflag:$0x6] =	stream.linear.gather [hbm4b:s26+s2], $0x180, $0x38;
	[tilespmem:$0x18480] =	vst v63  }
0x14: {  	_ =	swait.ge [sflag:s10], $0x180  }
0x15: {  	[sflag:s10] =	ssyncset.done $0x0  }
0x16: {  	s28 =	simm.s32 $0x180;
	[sflag:s10] =	ssyncadd.s32 $0xFFFFFE80  }
0x17: {  	[tilespmem:s28], [sflag:$0x1] =	stream.indirect.gather [hbm4b:s5+s28], $0x1, s2, s28, $0xb8;
	[tilespmem:$0x18480] =	vst v63  }
0x18: {  	_ =	swait.ge [sflag:s11], $0x180  }
0x19: {  	[sflag:s11] =	ssyncset.done $0x0  }
0x1a: {  	[sflag:s11] =	ssyncadd.s32 $0xFFFFFE80  }
0x1b: {  	s29 =	simm.s32 $0xC4F0;
	s26 =	simm.s32 $0xC4E0;
	v1 =	vld [tilespmem:s28+$0x0]  }
.LBB2_3:
0x1c: {  	p0 =	sne.s32 s29, $0xC650;
	_ =	sdelay $0x2  }
.Ltmp0:
0x1d: {  	(pc) =	sbr.rel @p0 .LBB2_3-.Ltmp0, $4  }
0x1e: {  	v2 =	vor.u32 s26, v0;
	s26 =	smov.u32 s29;
	vm0 =	vlt.s32 v1, $0x0  }
0x1f: {  	v1 =	vsel vm0, v2, v1  }
0x20: {  	[tilespmem:s28+$0x0] =	vst v1;
	s28 =	sadd.s32 $0x10, s28  }
0x21: {  	s29 =	sadd.s32 $0x10, s29;
	v1 =	vld [tilespmem:s28+$0x0]  }
0x22: {  	_ =	sdelay $0x3  }
0x23: {  	v2 =	vor.u32 s26, v0;
	s31 =	sor.u32 $0x20, s24;
	vm0 =	vlt.s32 v1, $0x0  }
0x24: {  	s26 =	smin.u32 s31, $0xDEB;
	v1 =	vsel vm0, v2, v1  }
0x25: {  	[tilespmem:s28+$0x0] =	vst v1;
	s28 =	smul.u32 $0x30, s26  }
0x26: {  	[tilespmem:s13], [sflag:$0x2] =	stream.indirect.gather [hbm4b:s6+s12], $0x80, s12, s12, $0xb8;
	[tilespmem:$0x18480] =	vst v63  }
0x27: {  	s28 =	sadd.s32 s1, s28  }
0x28: {  	[tilespmem:s2], [sflag:$0x6] =	stream.linear.gather [hbm4b:s28+s2], $0x180, $0x38;
	[tilespmem:$0x18480] =	vst v63  }
0x29: {  	_ =	swait.ge [sflag:s10], $0x180  }
0x2a: {  	[sflag:s10] =	ssyncset.done $0x0  }
0x2b: {  	s28 =	simm.s32 $0x300;
	[sflag:s10] =	ssyncadd.s32 $0xFFFFFE80  }
0x2c: {  	[tilespmem:s28], [sflag:$0x1] =	stream.indirect.gather [hbm4b:s5+s12], $0x1, s2, s12, $0xb8;
	[tilespmem:$0x18480] =	vst v63  }
0x2d: {  	_ =	swait.ge [sflag:s11], $0x180  }
0x2e: {  	[sflag:s11] =	ssyncset.done $0x0  }
0x2f: {  	[sflag:s11] =	ssyncadd.s32 $0xFFFFFE80  }
0x30: {  	s29 =	simm.s32 $0xC4E0;
	s30 =	simm.s32 $0xC4F0;
	v1 =	vld [tilespmem:s28+$0x0]  }
.LBB2_5:
0x31: {  	p0 =	sne.s32 s30, $0xC650;
	_ =	sdelay $0x2  }
.Ltmp1:
0x32: {  	(pc) =	sbr.rel @p0 .LBB2_5-.Ltmp1, $4  }
0x33: {  	v2 =	vor.u32 s29, v0;
	s29 =	smov.u32 s30;
	vm0 =	vlt.s32 v1, $0x0  }
0x34: {  	v1 =	vsel vm0, v2, v1  }
0x35: {  	[tilespmem:s28+$0x0] =	vst v1;
	s28 =	sadd.s32 $0x10, s28  }
0x36: {  	s30 =	sadd.s32 $0x10, s30;
	v1 =	vld [tilespmem:s28+$0x0]  }
0x37: {  	s30 =	smulhi.u32 $0x3E0F83E1, s24;
	_ =	sdelay $0x1  }
0x38: {  	s30 =	sshrl.u32 s30, $0x5  }
0x39: {  	s30 =	smul.u32 $0x84, s30  }
0x3a: {  	s25 =	smulhi.u32 $0x3E0F83E1, s25  }
0x3b: {  	v2 =	vor.u32 s29, v0;
	s31 =	smulhi.u32 $0x1F07C20, s26;
	vm0 =	vlt.s32 v1, $0x0;
	s30 =	ssub.s32 s24, s30  }
0x3c: {  	s25 =	sshll.u32 s25, $0x5;
	v1 =	vsel vm0, v2, v1;
	s24 =	smul.u32 $0x144000, s30  }
0x3d: {  	s25 =	sand.u32 $0xFFFFFC00, s25;
	[tilespmem:s28+$0x0] =	vst v1  }
0x3e: {  	s29 =	smul.u32 $0x84, s31;
	_ =	swait.ge [sflag:s14], $0xC000;
	s24 =	sadd.s32 s25, s24  }
0x3f: {  	[sflag:s14] =	ssyncset.done $0x0;
	s24 =	sshrl.u32 s24, $0x3  }
0x40: {  	s30 =	ssub.s32 s26, s29;
	[sflag:s14] =	ssyncadd.s32 $0xFFFF4000;
	s24 =	sadd.s32 s7, s24  }
0x41: {  	[hbm4b:s24+s15] =	stream.strided.scatter [tilespmem:s13], [sflag:$0x4], $0xC000, s16, s15, $0x38;
	[tilespmem:$0x18480] =	vst v63  }
0x42: {  	s31 =	sshll.u32 s31, $0xA;
	s24 =	smul.u32 $0x144000, s30  }
0x43: {  	[tilespmem:s18], [sflag:$0x3] =	stream.indirect.gather [hbm4b:s6+s12], $0x80, s17, s12, $0xb8;
	[tilespmem:$0x18480] =	vst v63  }
0x44: {  	s24 =	sadd.s32 s31, s24;
	_ =	swait.ge [sflag:s19], $0xC000  }
0x45: {  	s24 =	sshrl.u32 s24, $0x3;
	[sflag:s19] =	ssyncset.done $0x0  }
0x46: {  	s23 =	sadd.s32 $0x1, s23;
	s24 =	sadd.s32 s7, s24;
	[sflag:s19] =	ssyncadd.s32 $0xFFFF4000  }
0x47: {  	[hbm4b:s24+s15] =	stream.strided.scatter [tilespmem:s18], [sflag:$0x5], $0xC000, s16, s15, $0x38;
	[tilespmem:$0x18480] =	vst v63  }
0x48: {  	p0 =	sne.s32 s23, $0x38;
	_ =	swait.ge [sflag:s20], $0xC000  }
.Ltmp2:
0x49: {  	[sflag:s20] =	ssyncset.done $0x0;
	(pc) =	sbr.rel @p0 .LBB2_2-.Ltmp2, $4  }
0x4a: {  	[sflag:s20] =	ssyncadd.s32 $0xFFFF4000  }
0x4b: {  	_ =	swait.ge [sflag:s21], $0xC000  }
0x4c: {  	[sflag:s21] =	ssyncset.done $0x0  }
0x4d: {  	[sflag:s21] =	ssyncadd.s32 $0xFFFF4000  }
0x4e: {  	s22 =	sadd.s32 $0x1, s22  }
0x4f: {  	p0 =	sne.s32 s22, s9  }
.Ltmp3:
0x50: {  	_ = 	snop;
	(pc) =	sbr.rel @p0 .LBB2_1-.Ltmp3, $1  }
0x51: {  	_ =	sdelay $0x3  }
0x52: {  	_ =	sfence.sel $0x180000  }
0x53: {  	[bflag:$0x0] =	sbarrier.arrive $0xFFFF  }
0x54: {  	p0 =	sne.s32 s4, $0x0;
	_ =	strace $0x9000004A  }
0x55: {  	s0 =	sadd.s32 @!p0 $0x100000, s0;
	[bflag:$0x2] =	sbarrier.arrive $0xFFFF  }
0x56: {  	[sflag:s0] =	ssyncadd.tile.s32 @!p0 $0x1;
	_ =	shalt  }
.Lfunc_end2:
_tile_overlayer_lowered:
.L_overlay_start_2:
0x57: {  	(tag) =	ssettag $0x2  }
0x58: {  	s0 =	rddreg [dreg:$0x0];
	s2 =	stileid.u32  }
0x59: {  	s1 =	rddreg [dreg:$0x1];
	p0 =	sne.s32 s2, $0x0  }
0x5a: {  	s3 =	rddreg [dreg:$0x2];
	[bflag:$0x3] =	sbarrier.arrive $0xFFFF;
	s2 =	simm.s32 @!p0 $0x1C06  }
0x5b: {  	[timem:s3], [sflag:s2] =	dma.local @!p0 [hbm:s0], s1  }
0x5c: {  	s0 =	simm.s32 @!p0 $0x6  }
0x5d: {  	_ =	swait.ge @!p0 [sflag:s0], s1  }
0x5e: {  	s1 =	ssub.s32 @!p0 $0x0, s1;
	[sflag:s0] =	ssyncset.done @!p0 $0x0  }
0x5f: {  	[sflag:s0] =	ssyncadd.s32 @!p0 s1  }
0x60: {  	[bflag:$0x3] =	sbarrier.arrive $0xFFFF  }
0x61: {  	_ =	shalt  }

</sc_bundles>
